<compile_context>
chip_gen: v7x
topology: tpu7x:2x2x1
jax: 0.10.2.dev20260603
libtpu: 0.0.44.dev20260713+nightly
codegen_flags: <defaults>
</compile_context>

<pallas_src>
import functools

import jax
import jax.numpy as jnp
from jax import lax
from jax.experimental import pallas as pl
from jax.experimental.pallas import tpu as pltpu
from jax.experimental.pallas import tpu_sc as plsc

N = 100000
D = 128
OUT = 128
G = 160
NOFF = 27
NOFF_PAD = 32

NW = 32
NPAD = 100352
NCHUNK = 2
PC = NPAD // NCHUNK
P_PER_W = PC // NW
BLK = 1024
NBLK = NPAD // BLK
NBLK_C = PC // BLK
SX = 10
SY = 8


def _pack_zy_body(g_ref, r_ref):
    p = (g_ref[...] != 0.0).astype(jnp.int32)
    q = jnp.roll(p, 1, 2) | (p << 1) | (jnp.roll(p, -1, 2) << 2)
    r_ref[...] = jnp.roll(q, 1, 1) | (q << 3) | (jnp.roll(q, -1, 1) << 6)


def _pack_x_body(r_ref, b_ref):
    r = r_ref[...]
    b_ref[...] = jnp.roll(r, 1, 0) | (r << 9) | (jnp.roll(r, -1, 0) << 18)


def _sc_masks(voxflat, bgrid_flat, chunk):
    mesh = plsc.VectorSubcoreMesh(core_axis_name="c", subcore_axis_name="s")

    @functools.partial(
        pl.kernel,
        mesh=mesh,
        out_type=jax.ShapeDtypeStruct((PC * NOFF_PAD,), jnp.float32),
        scratch_types=[
            pltpu.VMEM((P_PER_W * 3,), jnp.int32),
            pltpu.VMEM((P_PER_W,), jnp.int32),
            pltpu.VMEM((P_PER_W,), jnp.int32),
            pltpu.VMEM((P_PER_W * NOFF_PAD,), jnp.float32),
            pltpu.SemaphoreType.DMA,
        ],
        compiler_params=pltpu.CompilerParams(needs_layout_passes=False),
    )
    def k(vox_hbm, bgrid_hbm, m_hbm, vox_v, idx_v, bits_v, m_v, sem):
        wid = lax.axis_index("s") * 2 + lax.axis_index("c")
        base = pl.multiple_of(wid * P_PER_W, 16)
        gbase = pl.multiple_of(chunk * PC + wid * P_PER_W, 16)
        pltpu.sync_copy(vox_hbm.at[pl.ds(gbase * 3, P_PER_W * 3)], vox_v)
        lanes = lax.iota(jnp.int32, 16)

        def idx_body(vi, carry):
            s = pl.multiple_of(vi * 16, 16)
            pos = (lanes + s) * 3
            x = plsc.load_gather(vox_v, [pos])
            y = plsc.load_gather(vox_v, [pos + 1])
            z = plsc.load_gather(vox_v, [pos + 2])
            idx_v[pl.ds(s, 16)] = (x * G + y) * G + z
            return carry

        lax.fori_loop(0, P_PER_W // 16, idx_body, 0)
        pltpu.async_copy(bgrid_hbm.at[idx_v], bits_v, sem).wait()

        def unpack_body(vi, carry):
            s = pl.multiple_of(vi * 16, 16)
            b = bits_v[pl.ds(s, 16)]
            mpos = (lanes + s) * NOFF_PAD
            for o in range(NOFF):
                mo = ((b >> o) & 1).astype(jnp.float32)
                plsc.store_scatter(m_v, [mpos + o], mo)
            return carry

        lax.fori_loop(0, P_PER_W // 16, unpack_body, 0)
        pltpu.sync_copy(
            m_v, m_hbm.at[pl.ds(base * NOFF_PAD, P_PER_W * NOFF_PAD)])

    return k(voxflat, bgrid_flat)


def _tc_compute(x_ref, m_ref, w_ref, o_ref):
    y = jnp.dot(x_ref[...].astype(jnp.bfloat16), w_ref[...],
                preferred_element_type=jnp.float32)
    m = (m_ref[...] != 0.0).astype(jnp.float32)
    acc = jnp.zeros((BLK, OUT), jnp.float32)
    for o in range(NOFF):
        acc = acc + m[:, o:o + 1] * y[:, o * OUT:(o + 1) * OUT]
    o_ref[...] = jnp.maximum(acc, 0.0)


def _tc_body_first(x_ref, m_ref, w_ref, o_ref):
    _tc_compute(x_ref, m_ref, w_ref, o_ref)


def _tc_body_next(x_ref, m_ref, w_ref, prev_ref, o_ref):
    del prev_ref
    _tc_compute(x_ref, m_ref, w_ref, o_ref)


def kernel(inputs, voxel_idx, pts_per_voxel_inv, conv_w):
    voxflat = jnp.pad(voxel_idx.reshape(N * 3), (0, (NPAD - N) * 3))
    grid3 = pts_per_voxel_inv.reshape(G, G, G)
    w_bf = (conv_w.reshape(NOFF, D, OUT)
            .transpose(1, 0, 2)
            .reshape(D, NOFF * OUT)
            .astype(jnp.bfloat16))

    r = pl.pallas_call(
        _pack_zy_body,
        grid=(G // SX,),
        in_specs=[pl.BlockSpec((SX, G, G), lambda i: (i, 0, 0))],
        out_specs=pl.BlockSpec((SX, G, G), lambda i: (i, 0, 0)),
        out_shape=jax.ShapeDtypeStruct((G, G, G), jnp.int32),
    )(grid3)
    bgrid = pl.pallas_call(
        _pack_x_body,
        grid=(G // SY,),
        in_specs=[pl.BlockSpec((G, SY, G), lambda i: (0, i, 0))],
        out_specs=pl.BlockSpec((G, SY, G), lambda i: (0, i, 0)),
        out_shape=jax.ShapeDtypeStruct((G, G, G), jnp.int32),
    )(r)

    bgrid_flat = bgrid.reshape(G * G * G)

    masks = [_sc_masks(voxflat, bgrid_flat, c).reshape(PC, NOFF_PAD)
             for c in range(NCHUNK)]

    out = None
    for c in range(NCHUNK):
        off = c * NBLK_C
        in_specs = [
            pl.BlockSpec((BLK, D), lambda i, off=off: (i + off, 0)),
            pl.BlockSpec((BLK, NOFF_PAD), lambda i: (i, 0)),
            pl.BlockSpec((D, NOFF * OUT), lambda i: (0, 0)),
        ]
        if c == 0:
            out = pl.pallas_call(
                _tc_body_first,
                grid=(NBLK_C,),
                in_specs=in_specs,
                out_specs=pl.BlockSpec((BLK, OUT),
                                       lambda i, off=off: (i + off, 0)),
                out_shape=jax.ShapeDtypeStruct((N, OUT), jnp.float32),
            )(inputs, masks[c], w_bf)
        else:
            out = pl.pallas_call(
                _tc_body_next,
                grid=(NBLK_C,),
                in_specs=in_specs + [pl.BlockSpec(memory_space=pl.ANY)],
                out_specs=pl.BlockSpec((BLK, OUT),
                                       lambda i, off=off: (i + off, 0)),
                out_shape=jax.ShapeDtypeStruct((N, OUT), jnp.float32),
                input_output_aliases={3: 0},
            )(inputs, masks[c], w_bf, out)
    return out

# --- scband reference (transcript-rebuilt; emitter-appended) ---
"""Pipeline reference for scband-sparse-conv3-d-75531294867875 (READ-ONLY COPY).

The authoritative reference and input builder live on the scoring server;
editing this copy changes nothing except your own understanding.
"""

import jax, jax.numpy as jnp
import numpy as np

N = 100000
D = 128
OUT = 128
G = 160


def setup_inputs(seed: int = 0) -> dict:
    key = jax.random.key(seed)
    k1, k2, k3, k4 = jax.random.split(key, 4)
    inputs = jax.random.normal(k1, (N, D), dtype=jnp.float32)
    voxel_idx = jax.random.randint(k2, (N, 3), 0, 158, dtype=jnp.int32)
    pts_per_voxel_inv = jax.random.uniform(k3, (1, G, G, G, 1), dtype=jnp.float32)
    kernel = jax.random.normal(k4, (3, 3, 3, D, OUT), dtype=jnp.float32) * 0.05
    return {"inputs": inputs, "voxel_idx": voxel_idx,
            "pts_per_voxel_inv": pts_per_voxel_inv, "kernel": kernel}


def reference(inputs, voxel_idx, pts_per_voxel_inv, kernel):
    # Faithful translation of sparse_conv3d + ReLU from SparseConv3D.call
    n = inputs.shape[0]
    out = jnp.zeros((n, kernel.shape[-1]), dtype=jnp.float32)
    grid = pts_per_voxel_inv[0, :, :, :, 0]
    for ox in range(-1, 2):
        for oy in range(-1, 2):
            for oz in range(-1, 2):
                offset = jnp.array([[ox, oy, oz]], dtype=jnp.int32)
                in_voxel_idx = voxel_idx + offset
                # gather_nd over the occupancy grid
                occ = grid[in_voxel_idx[:, 0], in_voxel_idx[:, 1], in_voxel_idx[:, 2]]
                mask = occ != 0
                output_features = inputs @ kernel[ox + 1, oy + 1, oz + 1]
                out = out + jnp.where(mask[:, None], output_features, 0.0)
    return jax.nn.relu(out)

if __name__ == "__main__":
    import jax
    _d = setup_inputs()
    print(jax.jit(kernel)(*tuple(_d.values())))

</pallas_src>

<mosaic_0001>
#map = affine_map<(d0, d1) -> (0)>
module attributes {stable_mosaic.version = 14 : i64} {
  func.func @k(%arg0: i32, %arg1: i32, %arg2: memref<301056xi32, #tpu.memory_space<hbm>>, %arg3: memref<4096000xi32, #tpu.memory_space<hbm>>, %arg4: memref<1605632xf32, #tpu.memory_space<hbm>>, %arg5: memref<4704xi32, #tpu.memory_space<vmem>>, %arg6: memref<1568xi32, #tpu.memory_space<vmem>>, %arg7: memref<1568xi32, #tpu.memory_space<vmem>>, %arg8: memref<50176xf32, #tpu.memory_space<vmem>>, %arg9: memref<!tpu.dma_semaphore, #tpu.memory_space<semaphore_mem>>) attributes {dimension_semantics = [#tpu.dimension_semantics<core_parallel>, #tpu.dimension_semantics<subcore_parallel>], iteration_bounds = array<i64: 2, 16>, scalar_prefetch = 0 : i64, scratch_operands = 5 : i64, tpu.core_type = #tpu.core_type<sc_vector_subcore>, window_params = [{transform_indices = #map}, {transform_indices = #map}, {transform_indices = #map}]} {
    %mul3A = arith.constant 2 : i32
    %mul3A_0 = arith.muli %arg1, %mul3A : i32
    %add3A = arith.addi %mul3A_0, %arg0 : i32
    %mul3A_1 = arith.constant 1568 : i32
    %mul3A_2 = arith.muli %add3A, %mul3A_1 : i32
    %multiple_of3A = tpu.assume_multiple %mul3A_2, 16 : i32
    %mul3A_3 = arith.constant 1568 : i32
    %mul3A_4 = arith.muli %add3A, %mul3A_3 : i32
    %add3A_5 = arith.constant 0 : i32
    %add3A_6 = arith.addi %add3A_5, %mul3A_4 : i32
    %multiple_of3A_7 = tpu.assume_multiple %add3A_6, 16 : i32
    %mul3A_8 = arith.constant 3 : i32
    %mul3A_9 = arith.muli %multiple_of3A_7, %mul3A_8 : i32
    "tpu.region"() ({
      %run_scoped3A = tpu.sem_alloc : memref<!tpu.dma_semaphore, #tpu.memory_space<semaphore_mem>>
      %dma_start3A_25 = tpu.memref_slice %arg2[%mul3A_9] : memref<301056xi32, #tpu.memory_space<hbm>> -> memref<4704xi32, #tpu.memory_space<hbm>>
      %dma_start3A_26 = tpu.memref_slice %arg2[%mul3A_9] : memref<301056xi32, #tpu.memory_space<hbm>> -> memref<4704xi32, #tpu.memory_space<hbm>>
      tpu.enqueue_dma source(%dma_start3A_26 : memref<4704xi32, #tpu.memory_space<hbm>>) target(%arg5 : memref<4704xi32, #tpu.memory_space<vmem>>) target_semaphore(%run_scoped3A : memref<!tpu.dma_semaphore, #tpu.memory_space<semaphore_mem>>)
      %dma_wait3A_27 = tpu.memref_slice %arg2[%mul3A_9] : memref<301056xi32, #tpu.memory_space<hbm>> -> memref<4704xi32, #tpu.memory_space<hbm>>
      %dma_wait3A_28 = tpu.memref_slice %arg2[%mul3A_9] : memref<301056xi32, #tpu.memory_space<hbm>> -> memref<4704xi32, #tpu.memory_space<hbm>>
      tpu.wait_dma2 semaphore(%run_scoped3A : memref<!tpu.dma_semaphore, #tpu.memory_space<semaphore_mem>>) src(%dma_wait3A_28 : memref<4704xi32, #tpu.memory_space<hbm>>) dst(%arg5 : memref<4704xi32, #tpu.memory_space<vmem>>)
      tpu.yield
    }) : () -> ()
    %iota3A = tpu.iota {dimensions = array<i32: 0>} : vector<16xi32>
    %scan3A = arith.constant 0 : i32
    %scan3A_10 = arith.constant 0 : i32
    %scan3A_11 = arith.constant 98 : i32
    %scan3A_12 = arith.addi %scan3A_10, %scan3A_11 : i32
    %scan3A_13 = arith.constant 1 : i32
    scf.for %scan3A_25 = %scan3A_10 to %scan3A_12 step %scan3A_13  : i32 {
      %mul3A_26 = arith.constant 16 : i32
      %mul3A_27 = arith.muli %scan3A_25, %mul3A_26 : i32
      %multiple_of3A_28 = tpu.assume_multiple %mul3A_27, 16 : i32
      %add3A_29 = vector.broadcast %multiple_of3A_28 : i32 to vector<16xi32>
      %add3A_30 = arith.addi %iota3A, %add3A_29 : vector<16xi32>
      %mul3A_31 = arith.constant 3 : i32
      %mul3A_32 = vector.broadcast %mul3A_31 : i32 to vector<16xi32>
      %mul3A_33 = arith.muli %add3A_30, %mul3A_32 : vector<16xi32>
      %gather3A = tpu.vector_load_idx %arg5[%mul3A_33] : memref<4704xi32, #tpu.memory_space<vmem>>[vector<16xi32>], vector<16xi32>,
      %add3A_34 = arith.constant 1 : i32
      %add3A_35 = vector.broadcast %add3A_34 : i32 to vector<16xi32>
      %add3A_36 = arith.addi %mul3A_33, %add3A_35 : vector<16xi32>
      %gather3A_37 = tpu.vector_load_idx %arg5[%add3A_36] : memref<4704xi32, #tpu.memory_space<vmem>>[vector<16xi32>], vector<16xi32>,
      %add3A_38 = arith.constant 2 : i32
      %add3A_39 = vector.broadcast %add3A_38 : i32 to vector<16xi32>
      %add3A_40 = arith.addi %mul3A_33, %add3A_39 : vector<16xi32>
      %gather3A_41 = tpu.vector_load_idx %arg5[%add3A_40] : memref<4704xi32, #tpu.memory_space<vmem>>[vector<16xi32>], vector<16xi32>,
      %mul3A_42 = arith.constant 160 : i32
      %mul3A_43 = vector.broadcast %mul3A_42 : i32 to vector<16xi32>
      %mul3A_44 = arith.muli %gather3A, %mul3A_43 : vector<16xi32>
      %add3A_45 = arith.addi %mul3A_44, %gather3A_37 : vector<16xi32>
      %mul3A_46 = arith.constant 160 : i32
      %mul3A_47 = vector.broadcast %mul3A_46 : i32 to vector<16xi32>
      %mul3A_48 = arith.muli %add3A_45, %mul3A_47 : vector<16xi32>
      %add3A_49 = arith.addi %mul3A_48, %gather3A_41 : vector<16xi32>
      %swap3A = arith.index_cast %multiple_of3A_28 : i32 to index
      %swap3A_50 = tpu.vector_load %arg6[%swap3A] {strides = array<i32>} : memref<1568xi32, #tpu.memory_space<vmem>>, vector<16xi32>,
      tpu.vector_store %arg6[%swap3A], %add3A_49 {strides = array<i32>} : memref<1568xi32, #tpu.memory_space<vmem>>, vector<16xi32>,
    }
    %scan3A_14 = arith.constant 98 : i32
    %dma_start3A = arith.constant 0 : i32
    %dma_start3A_15 = tpu.memref_slice %arg3[%dma_start3A] : memref<4096000xi32, #tpu.memory_space<hbm>> -> memref<4096000xi32, #tpu.memory_space<hbm>>
    tpu.enqueue_indirect_dma source(%dma_start3A_15 : memref<4096000xi32, #tpu.memory_space<hbm>>) target(%arg7 : memref<1568xi32, #tpu.memory_space<vmem>>) offsets(%arg6 : memref<1568xi32, #tpu.memory_space<vmem>>) semaphore(%arg9 : memref<!tpu.dma_semaphore, #tpu.memory_space<semaphore_mem>>)
    %dma_wait3A = arith.constant 0 : i32
    %dma_wait3A_16 = tpu.memref_slice %arg3[%dma_wait3A] : memref<4096000xi32, #tpu.memory_space<hbm>> -> memref<4096000xi32, #tpu.memory_space<hbm>>
    tpu.wait_indirect_dma semaphore(%arg9 : memref<!tpu.dma_semaphore, #tpu.memory_space<semaphore_mem>>) src(%dma_wait3A_16 : memref<4096000xi32, #tpu.memory_space<hbm>>) dst(%arg7 : memref<1568xi32, #tpu.memory_space<vmem>>)
    %scan3A_17 = arith.constant 0 : i32
    %scan3A_18 = arith.constant 0 : i32
    %scan3A_19 = arith.constant 98 : i32
    %scan3A_20 = arith.addi %scan3A_18, %scan3A_19 : i32
    %scan3A_21 = arith.constant 1 : i32
    scf.for %scan3A_25 = %scan3A_18 to %scan3A_20 step %scan3A_21  : i32 {
      %mul3A_26 = arith.constant 16 : i32
      %mul3A_27 = arith.muli %scan3A_25, %mul3A_26 : i32
      %multiple_of3A_28 = tpu.assume_multiple %mul3A_27, 16 : i32
      %get3A = arith.index_cast %multiple_of3A_28 : i32 to index
      %get3A_29 = tpu.vector_load %arg7[%get3A] {strides = array<i32>} : memref<1568xi32, #tpu.memory_space<vmem>>, vector<16xi32>,
      %add3A_30 = vector.broadcast %multiple_of3A_28 : i32 to vector<16xi32>
      %add3A_31 = arith.addi %iota3A, %add3A_30 : vector<16xi32>
      %mul3A_32 = arith.constant 32 : i32
      %mul3A_33 = vector.broadcast %mul3A_32 : i32 to vector<16xi32>
      %mul3A_34 = arith.muli %add3A_31, %mul3A_33 : vector<16xi32>
      %shift_right_arithmetic3A = arith.constant 0 : i32
      %shift_right_arithmetic3A_35 = vector.broadcast %shift_right_arithmetic3A : i32 to vector<16xi32>
      %shift_right_arithmetic3A_36 = arith.shrsi %get3A_29, %shift_right_arithmetic3A_35 : vector<16xi32>
      %and3A = arith.constant 1 : i32
      %and3A_37 = vector.broadcast %and3A : i32 to vector<16xi32>
      %and3A_38 = arith.andi %shift_right_arithmetic3A_36, %and3A_37 : vector<16xi32>
      %convert_element_type3A = arith.sitofp %and3A_38 : vector<16xi32> to vector<16xf32>
      %add3A_39 = arith.constant 0 : i32
      %add3A_40 = vector.broadcast %add3A_39 : i32 to vector<16xi32>
      %add3A_41 = arith.addi %mul3A_34, %add3A_40 : vector<16xi32>
      tpu.vector_store_idx %arg8[%add3A_41], %convert_element_type3A : memref<50176xf32, #tpu.memory_space<vmem>>[vector<16xi32>], vector<16xf32>,
      %shift_right_arithmetic3A_42 = arith.constant 1 : i32
      %shift_right_arithmetic3A_43 = vector.broadcast %shift_right_arithmetic3A_42 : i32 to vector<16xi32>
      %shift_right_arithmetic3A_44 = arith.shrsi %get3A_29, %shift_right_arithmetic3A_43 : vector<16xi32>
      %and3A_45 = arith.constant 1 : i32
      %and3A_46 = vector.broadcast %and3A_45 : i32 to vector<16xi32>
      %and3A_47 = arith.andi %shift_right_arithmetic3A_44, %and3A_46 : vector<16xi32>
      %convert_element_type3A_48 = arith.sitofp %and3A_47 : vector<16xi32> to vector<16xf32>
      %add3A_49 = arith.constant 1 : i32
      %add3A_50 = vector.broadcast %add3A_49 : i32 to vector<16xi32>
      %add3A_51 = arith.addi %mul3A_34, %add3A_50 : vector<16xi32>
      tpu.vector_store_idx %arg8[%add3A_51], %convert_element_type3A_48 : memref<50176xf32, #tpu.memory_space<vmem>>[vector<16xi32>], vector<16xf32>,
      %shift_right_arithmetic3A_52 = arith.constant 2 : i32
      %shift_right_arithmetic3A_53 = vector.broadcast %shift_right_arithmetic3A_52 : i32 to vector<16xi32>
      %shift_right_arithmetic3A_54 = arith.shrsi %get3A_29, %shift_right_arithmetic3A_53 : vector<16xi32>
      %and3A_55 = arith.constant 1 : i32
      %and3A_56 = vector.broadcast %and3A_55 : i32 to vector<16xi32>
      %and3A_57 = arith.andi %shift_right_arithmetic3A_54, %and3A_56 : vector<16xi32>
      %convert_element_type3A_58 = arith.sitofp %and3A_57 : vector<16xi32> to vector<16xf32>
      %add3A_59 = arith.constant 2 : i32
      %add3A_60 = vector.broadcast %add3A_59 : i32 to vector<16xi32>
      %add3A_61 = arith.addi %mul3A_34, %add3A_60 : vector<16xi32>
      tpu.vector_store_idx %arg8[%add3A_61], %convert_element_type3A_58 : memref<50176xf32, #tpu.memory_space<vmem>>[vector<16xi32>], vector<16xf32>,
      %shift_right_arithmetic3A_62 = arith.constant 3 : i32
      %shift_right_arithmetic3A_63 = vector.broadcast %shift_right_arithmetic3A_62 : i32 to vector<16xi32>
      %shift_right_arithmetic3A_64 = arith.shrsi %get3A_29, %shift_right_arithmetic3A_63 : vector<16xi32>
      %and3A_65 = arith.constant 1 : i32
      %and3A_66 = vector.broadcast %and3A_65 : i32 to vector<16xi32>
      %and3A_67 = arith.andi %shift_right_arithmetic3A_64, %and3A_66 : vector<16xi32>
      %convert_element_type3A_68 = arith.sitofp %and3A_67 : vector<16xi32> to vector<16xf32>
      %add3A_69 = arith.constant 3 : i32
      %add3A_70 = vector.broadcast %add3A_69 : i32 to vector<16xi32>
      %add3A_71 = arith.addi %mul3A_34, %add3A_70 : vector<16xi32>
      tpu.vector_store_idx %arg8[%add3A_71], %convert_element_type3A_68 : memref<50176xf32, #tpu.memory_space<vmem>>[vector<16xi32>], vector<16xf32>,
      %shift_right_arithmetic3A_72 = arith.constant 4 : i32
      %shift_right_arithmetic3A_73 = vector.broadcast %shift_right_arithmetic3A_72 : i32 to vector<16xi32>
      %shift_right_arithmetic3A_74 = arith.shrsi %get3A_29, %shift_right_arithmetic3A_73 : vector<16xi32>
      %and3A_75 = arith.constant 1 : i32
      %and3A_76 = vector.broadcast %and3A_75 : i32 to vector<16xi32>
      %and3A_77 = arith.andi %shift_right_arithmetic3A_74, %and3A_76 : vector<16xi32>
      %convert_element_type3A_78 = arith.sitofp %and3A_77 : vector<16xi32> to vector<16xf32>
      %add3A_79 = arith.constant 4 : i32
      %add3A_80 = vector.broadcast %add3A_79 : i32 to vector<16xi32>
      %add3A_81 = arith.addi %mul3A_34, %add3A_80 : vector<16xi32>
      tpu.vector_store_idx %arg8[%add3A_81], %convert_element_type3A_78 : memref<50176xf32, #tpu.memory_space<vmem>>[vector<16xi32>], vector<16xf32>,
      %shift_right_arithmetic3A_82 = arith.constant 5 : i32
      %shift_right_arithmetic3A_83 = vector.broadcast %shift_right_arithmetic3A_82 : i32 to vector<16xi32>
      %shift_right_arithmetic3A_84 = arith.shrsi %get3A_29, %shift_right_arithmetic3A_83 : vector<16xi32>
      %and3A_85 = arith.constant 1 : i32
      %and3A_86 = vector.broadcast %and3A_85 : i32 to vector<16xi32>
      %and3A_87 = arith.andi %shift_right_arithmetic3A_84, %and3A_86 : vector<16xi32>
      %convert_element_type3A_88 = arith.sitofp %and3A_87 : vector<16xi32> to vector<16xf32>
      %add3A_89 = arith.constant 5 : i32
      %add3A_90 = vector.broadcast %add3A_89 : i32 to vector<16xi32>
      %add3A_91 = arith.addi %mul3A_34, %add3A_90 : vector<16xi32>
      tpu.vector_store_idx %arg8[%add3A_91], %convert_element_type3A_88 : memref<50176xf32, #tpu.memory_space<vmem>>[vector<16xi32>], vector<16xf32>,
      %shift_right_arithmetic3A_92 = arith.constant 6 : i32
      %shift_right_arithmetic3A_93 = vector.broadcast %shift_right_arithmetic3A_92 : i32 to vector<16xi32>
      %shift_right_arithmetic3A_94 = arith.shrsi %get3A_29, %shift_right_arithmetic3A_93 : vector<16xi32>
      %and3A_95 = arith.constant 1 : i32
      %and3A_96 = vector.broadcast %and3A_95 : i32 to vector<16xi32>
      %and3A_97 = arith.andi %shift_right_arithmetic3A_94, %and3A_96 : vector<16xi32>
      %convert_element_type3A_98 = arith.sitofp %and3A_97 : vector<16xi32> to vector<16xf32>
      %add3A_99 = arith.constant 6 : i32
      %add3A_100 = vector.broadcast %add3A_99 : i32 to vector<16xi32>
      %add3A_101 = arith.addi %mul3A_34, %add3A_100 : vector<16xi32>
      tpu.vector_store_idx %arg8[%add3A_101], %convert_element_type3A_98 : memref<50176xf32, #tpu.memory_space<vmem>>[vector<16xi32>], vector<16xf32>,
      %shift_right_arithmetic3A_102 = arith.constant 7 : i32
      %shift_right_arithmetic3A_103 = vector.broadcast %shift_right_arithmetic3A_102 : i32 to vector<16xi32>
      %shift_right_arithmetic3A_104 = arith.shrsi %get3A_29, %shift_right_arithmetic3A_103 : vector<16xi32>
      %and3A_105 = arith.constant 1 : i32
      %and3A_106 = vector.broadcast %and3A_105 : i32 to vector<16xi32>
      %and3A_107 = arith.andi %shift_right_arithmetic3A_104, %and3A_106 : vector<16xi32>
      %convert_element_type3A_108 = arith.sitofp %and3A_107 : vector<16xi32> to vector<16xf32>
      %add3A_109 = arith.constant 7 : i32
      %add3A_110 = vector.broadcast %add3A_109 : i32 to vector<16xi32>
      %add3A_111 = arith.addi %mul3A_34, %add3A_110 : vector<16xi32>
      tpu.vector_store_idx %arg8[%add3A_111], %convert_element_type3A_108 : memref<50176xf32, #tpu.memory_space<vmem>>[vector<16xi32>], vector<16xf32>,
      %shift_right_arithmetic3A_112 = arith.constant 8 : i32
      %shift_right_arithmetic3A_113 = vector.broadcast %shift_right_arithmetic3A_112 : i32 to vector<16xi32>
      %shift_right_arithmetic3A_114 = arith.shrsi %get3A_29, %shift_right_arithmetic3A_113 : vector<16xi32>
      %and3A_115 = arith.constant 1 : i32
      %and3A_116 = vector.broadcast %and3A_115 : i32 to vector<16xi32>
      %and3A_117 = arith.andi %shift_right_arithmetic3A_114, %and3A_116 : vector<16xi32>
      %convert_element_type3A_118 = arith.sitofp %and3A_117 : vector<16xi32> to vector<16xf32>
      %add3A_119 = arith.constant 8 : i32
      %add3A_120 = vector.broadcast %add3A_119 : i32 to vector<16xi32>
      %add3A_121 = arith.addi %mul3A_34, %add3A_120 : vector<16xi32>
      tpu.vector_store_idx %arg8[%add3A_121], %convert_element_type3A_118 : memref<50176xf32, #tpu.memory_space<vmem>>[vector<16xi32>], vector<16xf32>,
      %shift_right_arithmetic3A_122 = arith.constant 9 : i32
      %shift_right_arithmetic3A_123 = vector.broadcast %shift_right_arithmetic3A_122 : i32 to vector<16xi32>
      %shift_right_arithmetic3A_124 = arith.shrsi %get3A_29, %shift_right_arithmetic3A_123 : vector<16xi32>
      %and3A_125 = arith.constant 1 : i32
      %and3A_126 = vector.broadcast %and3A_125 : i32 to vector<16xi32>
      %and3A_127 = arith.andi %shift_right_arithmetic3A_124, %and3A_126 : vector<16xi32>
      %convert_element_type3A_128 = arith.sitofp %and3A_127 : vector<16xi32> to vector<16xf32>
      %add3A_129 = arith.constant 9 : i32
      %add3A_130 = vector.broadcast %add3A_129 : i32 to vector<16xi32>
      %add3A_131 = arith.addi %mul3A_34, %add3A_130 : vector<16xi32>
      tpu.vector_store_idx %arg8[%add3A_131], %convert_element_type3A_128 : memref<50176xf32, #tpu.memory_space<vmem>>[vector<16xi32>], vector<16xf32>,
      %shift_right_arithmetic3A_132 = arith.constant 10 : i32
      %shift_right_arithmetic3A_133 = vector.broadcast %shift_right_arithmetic3A_132 : i32 to vector<16xi32>
      %shift_right_arithmetic3A_134 = arith.shrsi %get3A_29, %shift_right_arithmetic3A_133 : vector<16xi32>
      %and3A_135 = arith.constant 1 : i32
      %and3A_136 = vector.broadcast %and3A_135 : i32 to vector<16xi32>
      %and3A_137 = arith.andi %shift_right_arithmetic3A_134, %and3A_136 : vector<16xi32>
      %convert_element_type3A_138 = arith.sitofp %and3A_137 : vector<16xi32> to vector<16xf32>
      %add3A_139 = arith.constant 10 : i32
      %add3A_140 = vector.broadcast %add3A_139 : i32 to vector<16xi32>
      %add3A_141 = arith.addi %mul3A_34, %add3A_140 : vector<16xi32>
      tpu.vector_store_idx %arg8[%add3A_141], %convert_element_type3A_138 : memref<50176xf32, #tpu.memory_space<vmem>>[vector<16xi32>], vector<16xf32>,
      %shift_right_arithmetic3A_142 = arith.constant 11 : i32
      %shift_right_arithmetic3A_143 = vector.broadcast %shift_right_arithmetic3A_142 : i32 to vector<16xi32>
      %shift_right_arithmetic3A_144 = arith.shrsi %get3A_29, %shift_right_arithmetic3A_143 : vector<16xi32>
      %and3A_145 = arith.constant 1 : i32
      %and3A_146 = vector.broadcast %and3A_145 : i32 to vector<16xi32>
      %and3A_147 = arith.andi %shift_right_arithmetic3A_144, %and3A_146 : vector<16xi32>
      %convert_element_type3A_148 = arith.sitofp %and3A_147 : vector<16xi32> to vector<16xf32>
      %add3A_149 = arith.constant 11 : i32
      %add3A_150 = vector.broadcast %add3A_149 : i32 to vector<16xi32>
      %add3A_151 = arith.addi %mul3A_34, %add3A_150 : vector<16xi32>
      tpu.vector_store_idx %arg8[%add3A_151], %convert_element_type3A_148 : memref<50176xf32, #tpu.memory_space<vmem>>[vector<16xi32>], vector<16xf32>,
      %shift_right_arithmetic3A_152 = arith.constant 12 : i32
      %shift_right_arithmetic3A_153 = vector.broadcast %shift_right_arithmetic3A_152 : i32 to vector<16xi32>
      %shift_right_arithmetic3A_154 = arith.shrsi %get3A_29, %shift_right_arithmetic3A_153 : vector<16xi32>
      %and3A_155 = arith.constant 1 : i32
      %and3A_156 = vector.broadcast %and3A_155 : i32 to vector<16xi32>
      %and3A_157 = arith.andi %shift_right_arithmetic3A_154, %and3A_156 : vector<16xi32>
      %convert_element_type3A_158 = arith.sitofp %and3A_157 : vector<16xi32> to vector<16xf32>
      %add3A_159 = arith.constant 12 : i32
      %add3A_160 = vector.broadcast %add3A_159 : i32 to vector<16xi32>
      %add3A_161 = arith.addi %mul3A_34, %add3A_160 : vector<16xi32>
      tpu.vector_store_idx %arg8[%add3A_161], %convert_element_type3A_158 : memref<50176xf32, #tpu.memory_space<vmem>>[vector<16xi32>], vector<16xf32>,
      %shift_right_arithmetic3A_162 = arith.constant 13 : i32
      %shift_right_arithmetic3A_163 = vector.broadcast %shift_right_arithmetic3A_162 : i32 to vector<16xi32>
      %shift_right_arithmetic3A_164 = arith.shrsi %get3A_29, %shift_right_arithmetic3A_163 : vector<16xi32>
      %and3A_165 = arith.constant 1 : i32
      %and3A_166 = vector.broadcast %and3A_165 : i32 to vector<16xi32>
      %and3A_167 = arith.andi %shift_right_arithmetic3A_164, %and3A_166 : vector<16xi32>
      %convert_element_type3A_168 = arith.sitofp %and3A_167 : vector<16xi32> to vector<16xf32>
      %add3A_169 = arith.constant 13 : i32
      %add3A_170 = vector.broadcast %add3A_169 : i32 to vector<16xi32>
      %add3A_171 = arith.addi %mul3A_34, %add3A_170 : vector<16xi32>
      tpu.vector_store_idx %arg8[%add3A_171], %convert_element_type3A_168 : memref<50176xf32, #tpu.memory_space<vmem>>[vector<16xi32>], vector<16xf32>,
      %shift_right_arithmetic3A_172 = arith.constant 14 : i32
      %shift_right_arithmetic3A_173 = vector.broadcast %shift_right_arithmetic3A_172 : i32 to vector<16xi32>
      %shift_right_arithmetic3A_174 = arith.shrsi %get3A_29, %shift_right_arithmetic3A_173 : vector<16xi32>
      %and3A_175 = arith.constant 1 : i32
      %and3A_176 = vector.broadcast %and3A_175 : i32 to vector<16xi32>
      %and3A_177 = arith.andi %shift_right_arithmetic3A_174, %and3A_176 : vector<16xi32>
      %convert_element_type3A_178 = arith.sitofp %and3A_177 : vector<16xi32> to vector<16xf32>
      %add3A_179 = arith.constant 14 : i32
      %add3A_180 = vector.broadcast %add3A_179 : i32 to vector<16xi32>
      %add3A_181 = arith.addi %mul3A_34, %add3A_180 : vector<16xi32>
      tpu.vector_store_idx %arg8[%add3A_181], %convert_element_type3A_178 : memref<50176xf32, #tpu.memory_space<vmem>>[vector<16xi32>], vector<16xf32>,
      %shift_right_arithmetic3A_182 = arith.constant 15 : i32
      %shift_right_arithmetic3A_183 = vector.broadcast %shift_right_arithmetic3A_182 : i32 to vector<16xi32>
      %shift_right_arithmetic3A_184 = arith.shrsi %get3A_29, %shift_right_arithmetic3A_183 : vector<16xi32>
      %and3A_185 = arith.constant 1 : i32
      %and3A_186 = vector.broadcast %and3A_185 : i32 to vector<16xi32>
      %and3A_187 = arith.andi %shift_right_arithmetic3A_184, %and3A_186 : vector<16xi32>
      %convert_element_type3A_188 = arith.sitofp %and3A_187 : vector<16xi32> to vector<16xf32>
      %add3A_189 = arith.constant 15 : i32
      %add3A_190 = vector.broadcast %add3A_189 : i32 to vector<16xi32>
      %add3A_191 = arith.addi %mul3A_34, %add3A_190 : vector<16xi32>
      tpu.vector_store_idx %arg8[%add3A_191], %convert_element_type3A_188 : memref<50176xf32, #tpu.memory_space<vmem>>[vector<16xi32>], vector<16xf32>,
      %shift_right_arithmetic3A_192 = arith.constant 16 : i32
      %shift_right_arithmetic3A_193 = vector.broadcast %shift_right_arithmetic3A_192 : i32 to vector<16xi32>
      %shift_right_arithmetic3A_194 = arith.shrsi %get3A_29, %shift_right_arithmetic3A_193 : vector<16xi32>
      %and3A_195 = arith.constant 1 : i32
      %and3A_196 = vector.broadcast %and3A_195 : i32 to vector<16xi32>
      %and3A_197 = arith.andi %shift_right_arithmetic3A_194, %and3A_196 : vector<16xi32>
      %convert_element_type3A_198 = arith.sitofp %and3A_197 : vector<16xi32> to vector<16xf32>
      %add3A_199 = arith.constant 16 : i32
      %add3A_200 = vector.broadcast %add3A_199 : i32 to vector<16xi32>
      %add3A_201 = arith.addi %mul3A_34, %add3A_200 : vector<16xi32>
      tpu.vector_store_idx %arg8[%add3A_201], %convert_element_type3A_198 : memref<50176xf32, #tpu.memory_space<vmem>>[vector<16xi32>], vector<16xf32>,
      %shift_right_arithmetic3A_202 = arith.constant 17 : i32
      %shift_right_arithmetic3A_203 = vector.broadcast %shift_right_arithmetic3A_202 : i32 to vector<16xi32>
      %shift_right_arithmetic3A_204 = arith.shrsi %get3A_29, %shift_right_arithmetic3A_203 : vector<16xi32>
      %and3A_205 = arith.constant 1 : i32
      %and3A_206 = vector.broadcast %and3A_205 : i32 to vector<16xi32>
      %and3A_207 = arith.andi %shift_right_arithmetic3A_204, %and3A_206 : vector<16xi32>
      %convert_element_type3A_208 = arith.sitofp %and3A_207 : vector<16xi32> to vector<16xf32>
      %add3A_209 = arith.constant 17 : i32
      %add3A_210 = vector.broadcast %add3A_209 : i32 to vector<16xi32>
      %add3A_211 = arith.addi %mul3A_34, %add3A_210 : vector<16xi32>
      tpu.vector_store_idx %arg8[%add3A_211], %convert_element_type3A_208 : memref<50176xf32, #tpu.memory_space<vmem>>[vector<16xi32>], vector<16xf32>,
      %shift_right_arithmetic3A_212 = arith.constant 18 : i32
      %shift_right_arithmetic3A_213 = vector.broadcast %shift_right_arithmetic3A_212 : i32 to vector<16xi32>
      %shift_right_arithmetic3A_214 = arith.shrsi %get3A_29, %shift_right_arithmetic3A_213 : vector<16xi32>
      %and3A_215 = arith.constant 1 : i32
      %and3A_216 = vector.broadcast %and3A_215 : i32 to vector<16xi32>
      %and3A_217 = arith.andi %shift_right_arithmetic3A_214, %and3A_216 : vector<16xi32>
      %convert_element_type3A_218 = arith.sitofp %and3A_217 : vector<16xi32> to vector<16xf32>
      %add3A_219 = arith.constant 18 : i32
      %add3A_220 = vector.broadcast %add3A_219 : i32 to vector<16xi32>
      %add3A_221 = arith.addi %mul3A_34, %add3A_220 : vector<16xi32>
      tpu.vector_store_idx %arg8[%add3A_221], %convert_element_type3A_218 : memref<50176xf32, #tpu.memory_space<vmem>>[vector<16xi32>], vector<16xf32>,
      %shift_right_arithmetic3A_222 = arith.constant 19 : i32
      %shift_right_arithmetic3A_223 = vector.broadcast %shift_right_arithmetic3A_222 : i32 to vector<16xi32>
      %shift_right_arithmetic3A_224 = arith.shrsi %get3A_29, %shift_right_arithmetic3A_223 : vector<16xi32>
      %and3A_225 = arith.constant 1 : i32
      %and3A_226 = vector.broadcast %and3A_225 : i32 to vector<16xi32>
      %and3A_227 = arith.andi %shift_right_arithmetic3A_224, %and3A_226 : vector<16xi32>
      %convert_element_type3A_228 = arith.sitofp %and3A_227 : vector<16xi32> to vector<16xf32>
      %add3A_229 = arith.constant 19 : i32
      %add3A_230 = vector.broadcast %add3A_229 : i32 to vector<16xi32>
      %add3A_231 = arith.addi %mul3A_34, %add3A_230 : vector<16xi32>
      tpu.vector_store_idx %arg8[%add3A_231], %convert_element_type3A_228 : memref<50176xf32, #tpu.memory_space<vmem>>[vector<16xi32>], vector<16xf32>,
      %shift_right_arithmetic3A_232 = arith.constant 20 : i32
      %shift_right_arithmetic3A_233 = vector.broadcast %shift_right_arithmetic3A_232 : i32 to vector<16xi32>
      %shift_right_arithmetic3A_234 = arith.shrsi %get3A_29, %shift_right_arithmetic3A_233 : vector<16xi32>
      %and3A_235 = arith.constant 1 : i32
      %and3A_236 = vector.broadcast %and3A_235 : i32 to vector<16xi32>
      %and3A_237 = arith.andi %shift_right_arithmetic3A_234, %and3A_236 : vector<16xi32>
      %convert_element_type3A_238 = arith.sitofp %and3A_237 : vector<16xi32> to vector<16xf32>
      %add3A_239 = arith.constant 20 : i32
      %add3A_240 = vector.broadcast %add3A_239 : i32 to vector<16xi32>
      %add3A_241 = arith.addi %mul3A_34, %add3A_240 : vector<16xi32>
      tpu.vector_store_idx %arg8[%add3A_241], %convert_element_type3A_238 : memref<50176xf32, #tpu.memory_space<vmem>>[vector<16xi32>], vector<16xf32>,
      %shift_right_arithmetic3A_242 = arith.constant 21 : i32
      %shift_right_arithmetic3A_243 = vector.broadcast %shift_right_arithmetic3A_242 : i32 to vector<16xi32>
      %shift_right_arithmetic3A_244 = arith.shrsi %get3A_29, %shift_right_arithmetic3A_243 : vector<16xi32>
      %and3A_245 = arith.constant 1 : i32
      %and3A_246 = vector.broadcast %and3A_245 : i32 to vector<16xi32>
      %and3A_247 = arith.andi %shift_right_arithmetic3A_244, %and3A_246 : vector<16xi32>
      %convert_element_type3A_248 = arith.sitofp %and3A_247 : vector<16xi32> to vector<16xf32>
      %add3A_249 = arith.constant 21 : i32
      %add3A_250 = vector.broadcast %add3A_249 : i32 to vector<16xi32>
      %add3A_251 = arith.addi %mul3A_34, %add3A_250 : vector<16xi32>
      tpu.vector_store_idx %arg8[%add3A_251], %convert_element_type3A_248 : memref<50176xf32, #tpu.memory_space<vmem>>[vector<16xi32>], vector<16xf32>,
      %shift_right_arithmetic3A_252 = arith.constant 22 : i32
      %shift_right_arithmetic3A_253 = vector.broadcast %shift_right_arithmetic3A_252 : i32 to vector<16xi32>
      %shift_right_arithmetic3A_254 = arith.shrsi %get3A_29, %shift_right_arithmetic3A_253 : vector<16xi32>
      %and3A_255 = arith.constant 1 : i32
      %and3A_256 = vector.broadcast %and3A_255 : i32 to vector<16xi32>
      %and3A_257 = arith.andi %shift_right_arithmetic3A_254, %and3A_256 : vector<16xi32>
      %convert_element_type3A_258 = arith.sitofp %and3A_257 : vector<16xi32> to vector<16xf32>
      %add3A_259 = arith.constant 22 : i32
      %add3A_260 = vector.broadcast %add3A_259 : i32 to vector<16xi32>
      %add3A_261 = arith.addi %mul3A_34, %add3A_260 : vector<16xi32>
      tpu.vector_store_idx %arg8[%add3A_261], %convert_element_type3A_258 : memref<50176xf32, #tpu.memory_space<vmem>>[vector<16xi32>], vector<16xf32>,
      %shift_right_arithmetic3A_262 = arith.constant 23 : i32
      %shift_right_arithmetic3A_263 = vector.broadcast %shift_right_arithmetic3A_262 : i32 to vector<16xi32>
      %shift_right_arithmetic3A_264 = arith.shrsi %get3A_29, %shift_right_arithmetic3A_263 : vector<16xi32>
      %and3A_265 = arith.constant 1 : i32
      %and3A_266 = vector.broadcast %and3A_265 : i32 to vector<16xi32>
      %and3A_267 = arith.andi %shift_right_arithmetic3A_264, %and3A_266 : vector<16xi32>
      %convert_element_type3A_268 = arith.sitofp %and3A_267 : vector<16xi32> to vector<16xf32>
      %add3A_269 = arith.constant 23 : i32
      %add3A_270 = vector.broadcast %add3A_269 : i32 to vector<16xi32>
      %add3A_271 = arith.addi %mul3A_34, %add3A_270 : vector<16xi32>
      tpu.vector_store_idx %arg8[%add3A_271], %convert_element_type3A_268 : memref<50176xf32, #tpu.memory_space<vmem>>[vector<16xi32>], vector<16xf32>,
      %shift_right_arithmetic3A_272 = arith.constant 24 : i32
      %shift_right_arithmetic3A_273 = vector.broadcast %shift_right_arithmetic3A_272 : i32 to vector<16xi32>
      %shift_right_arithmetic3A_274 = arith.shrsi %get3A_29, %shift_right_arithmetic3A_273 : vector<16xi32>
      %and3A_275 = arith.constant 1 : i32
      %and3A_276 = vector.broadcast %and3A_275 : i32 to vector<16xi32>
      %and3A_277 = arith.andi %shift_right_arithmetic3A_274, %and3A_276 : vector<16xi32>
      %convert_element_type3A_278 = arith.sitofp %and3A_277 : vector<16xi32> to vector<16xf32>
      %add3A_279 = arith.constant 24 : i32
      %add3A_280 = vector.broadcast %add3A_279 : i32 to vector<16xi32>
      %add3A_281 = arith.addi %mul3A_34, %add3A_280 : vector<16xi32>
      tpu.vector_store_idx %arg8[%add3A_281], %convert_element_type3A_278 : memref<50176xf32, #tpu.memory_space<vmem>>[vector<16xi32>], vector<16xf32>,
      %shift_right_arithmetic3A_282 = arith.constant 25 : i32
      %shift_right_arithmetic3A_283 = vector.broadcast %shift_right_arithmetic3A_282 : i32 to vector<16xi32>
      %shift_right_arithmetic3A_284 = arith.shrsi %get3A_29, %shift_right_arithmetic3A_283 : vector<16xi32>
      %and3A_285 = arith.constant 1 : i32
      %and3A_286 = vector.broadcast %and3A_285 : i32 to vector<16xi32>
      %and3A_287 = arith.andi %shift_right_arithmetic3A_284, %and3A_286 : vector<16xi32>
      %convert_element_type3A_288 = arith.sitofp %and3A_287 : vector<16xi32> to vector<16xf32>
      %add3A_289 = arith.constant 25 : i32
      %add3A_290 = vector.broadcast %add3A_289 : i32 to vector<16xi32>
      %add3A_291 = arith.addi %mul3A_34, %add3A_290 : vector<16xi32>
      tpu.vector_store_idx %arg8[%add3A_291], %convert_element_type3A_288 : memref<50176xf32, #tpu.memory_space<vmem>>[vector<16xi32>], vector<16xf32>,
      %shift_right_arithmetic3A_292 = arith.constant 26 : i32
      %shift_right_arithmetic3A_293 = vector.broadcast %shift_right_arithmetic3A_292 : i32 to vector<16xi32>
      %shift_right_arithmetic3A_294 = arith.shrsi %get3A_29, %shift_right_arithmetic3A_293 : vector<16xi32>
      %and3A_295 = arith.constant 1 : i32
      %and3A_296 = vector.broadcast %and3A_295 : i32 to vector<16xi32>
      %and3A_297 = arith.andi %shift_right_arithmetic3A_294, %and3A_296 : vector<16xi32>
      %convert_element_type3A_298 = arith.sitofp %and3A_297 : vector<16xi32> to vector<16xf32>
      %add3A_299 = arith.constant 26 : i32
      %add3A_300 = vector.broadcast %add3A_299 : i32 to vector<16xi32>
      %add3A_301 = arith.addi %mul3A_34, %add3A_300 : vector<16xi32>
      tpu.vector_store_idx %arg8[%add3A_301], %convert_element_type3A_298 : memref<50176xf32, #tpu.memory_space<vmem>>[vector<16xi32>], vector<16xf32>,
    }
    %scan3A_22 = arith.constant 98 : i32
    %mul3A_23 = arith.constant 32 : i32
    %mul3A_24 = arith.muli %multiple_of3A, %mul3A_23 : i32
    "tpu.region"() ({
      %run_scoped3A = tpu.sem_alloc : memref<!tpu.dma_semaphore, #tpu.memory_space<semaphore_mem>>
      %dma_start3A_25 = tpu.memref_slice %arg4[%mul3A_24] : memref<1605632xf32, #tpu.memory_space<hbm>> -> memref<50176xf32, #tpu.memory_space<hbm>>
      %dma_start3A_26 = tpu.memref_slice %arg4[%mul3A_24] : memref<1605632xf32, #tpu.memory_space<hbm>> -> memref<50176xf32, #tpu.memory_space<hbm>>
      tpu.enqueue_dma source(%arg8 : memref<50176xf32, #tpu.memory_space<vmem>>) target(%dma_start3A_26 : memref<50176xf32, #tpu.memory_space<hbm>>) target_semaphore(%run_scoped3A : memref<!tpu.dma_semaphore, #tpu.memory_space<semaphore_mem>>)
      %dma_wait3A_27 = tpu.memref_slice %arg4[%mul3A_24] : memref<1605632xf32, #tpu.memory_space<hbm>> -> memref<50176xf32, #tpu.memory_space<hbm>>
      %dma_wait3A_28 = tpu.memref_slice %arg4[%mul3A_24] : memref<1605632xf32, #tpu.memory_space<hbm>> -> memref<50176xf32, #tpu.memory_space<hbm>>
      tpu.wait_dma2 semaphore(%run_scoped3A : memref<!tpu.dma_semaphore, #tpu.memory_space<semaphore_mem>>) src(%arg8 : memref<50176xf32, #tpu.memory_space<vmem>>) dst(%dma_wait3A_28 : memref<50176xf32, #tpu.memory_space<hbm>>)
      tpu.yield
    }) : () -> ()
    return
  }
}

#map = affine_map<(d0, d1) -> (0)>
module attributes {stable_mosaic.version = 14 : i64} {
  func.func @k(%arg0: i32, %arg1: i32, %arg2: memref<301056xi32, #tpu.memory_space<hbm>>, %arg3: memref<4096000xi32, #tpu.memory_space<hbm>>, %arg4: memref<1605632xf32, #tpu.memory_space<hbm>>, %arg5: memref<4704xi32, #tpu.memory_space<vmem>>, %arg6: memref<1568xi32, #tpu.memory_space<vmem>>, %arg7: memref<1568xi32, #tpu.memory_space<vmem>>, %arg8: memref<50176xf32, #tpu.memory_space<vmem>>, %arg9: memref<!tpu.dma_semaphore, #tpu.memory_space<semaphore_mem>>) attributes {dimension_semantics = [#tpu.dimension_semantics<core_parallel>, #tpu.dimension_semantics<subcore_parallel>], iteration_bounds = array<i64: 2, 16>, scalar_prefetch = 0 : i64, scratch_operands = 5 : i64, tpu.core_type = #tpu.core_type<sc_vector_subcore>, window_params = [{transform_indices = #map}, {transform_indices = #map}, {transform_indices = #map}]} {
    %mul3A = arith.constant 2 : i32
    %mul3A_0 = arith.muli %arg1, %mul3A : i32
    %add3A = arith.addi %mul3A_0, %arg0 : i32
    %mul3A_1 = arith.constant 1568 : i32
    %mul3A_2 = arith.muli %add3A, %mul3A_1 : i32
    %multiple_of3A = tpu.assume_multiple %mul3A_2, 16 : i32
    %mul3A_3 = arith.constant 1568 : i32
    %mul3A_4 = arith.muli %add3A, %mul3A_3 : i32
    %add3A_5 = arith.constant 50176 : i32
    %add3A_6 = arith.addi %add3A_5, %mul3A_4 : i32
    %multiple_of3A_7 = tpu.assume_multiple %add3A_6, 16 : i32
    %mul3A_8 = arith.constant 3 : i32
    %mul3A_9 = arith.muli %multiple_of3A_7, %mul3A_8 : i32
    "tpu.region"() ({
      %run_scoped3A = tpu.sem_alloc : memref<!tpu.dma_semaphore, #tpu.memory_space<semaphore_mem>>
      %dma_start3A_25 = tpu.memref_slice %arg2[%mul3A_9] : memref<301056xi32, #tpu.memory_space<hbm>> -> memref<4704xi32, #tpu.memory_space<hbm>>
      %dma_start3A_26 = tpu.memref_slice %arg2[%mul3A_9] : memref<301056xi32, #tpu.memory_space<hbm>> -> memref<4704xi32, #tpu.memory_space<hbm>>
      tpu.enqueue_dma source(%dma_start3A_26 : memref<4704xi32, #tpu.memory_space<hbm>>) target(%arg5 : memref<4704xi32, #tpu.memory_space<vmem>>) target_semaphore(%run_scoped3A : memref<!tpu.dma_semaphore, #tpu.memory_space<semaphore_mem>>)
      %dma_wait3A_27 = tpu.memref_slice %arg2[%mul3A_9] : memref<301056xi32, #tpu.memory_space<hbm>> -> memref<4704xi32, #tpu.memory_space<hbm>>
      %dma_wait3A_28 = tpu.memref_slice %arg2[%mul3A_9] : memref<301056xi32, #tpu.memory_space<hbm>> -> memref<4704xi32, #tpu.memory_space<hbm>>
      tpu.wait_dma2 semaphore(%run_scoped3A : memref<!tpu.dma_semaphore, #tpu.memory_space<semaphore_mem>>) src(%dma_wait3A_28 : memref<4704xi32, #tpu.memory_space<hbm>>) dst(%arg5 : memref<4704xi32, #tpu.memory_space<vmem>>)
      tpu.yield
    }) : () -> ()
    %iota3A = tpu.iota {dimensions = array<i32: 0>} : vector<16xi32>
    %scan3A = arith.constant 0 : i32
    %scan3A_10 = arith.constant 0 : i32
    %scan3A_11 = arith.constant 98 : i32
    %scan3A_12 = arith.addi %scan3A_10, %scan3A_11 : i32
    %scan3A_13 = arith.constant 1 : i32
    scf.for %scan3A_25 = %scan3A_10 to %scan3A_12 step %scan3A_13  : i32 {
      %mul3A_26 = arith.constant 16 : i32
      %mul3A_27 = arith.muli %scan3A_25, %mul3A_26 : i32
      %multiple_of3A_28 = tpu.assume_multiple %mul3A_27, 16 : i32
      %add3A_29 = vector.broadcast %multiple_of3A_28 : i32 to vector<16xi32>
      %add3A_30 = arith.addi %iota3A, %add3A_29 : vector<16xi32>
      %mul3A_31 = arith.constant 3 : i32
      %mul3A_32 = vector.broadcast %mul3A_31 : i32 to vector<16xi32>
      %mul3A_33 = arith.muli %add3A_30, %mul3A_32 : vector<16xi32>
      %gather3A = tpu.vector_load_idx %arg5[%mul3A_33] : memref<4704xi32, #tpu.memory_space<vmem>>[vector<16xi32>], vector<16xi32>,
      %add3A_34 = arith.constant 1 : i32
      %add3A_35 = vector.broadcast %add3A_34 : i32 to vector<16xi32>
      %add3A_36 = arith.addi %mul3A_33, %add3A_35 : vector<16xi32>
      %gather3A_37 = tpu.vector_load_idx %arg5[%add3A_36] : memref<4704xi32, #tpu.memory_space<vmem>>[vector<16xi32>], vector<16xi32>,
      %add3A_38 = arith.constant 2 : i32
      %add3A_39 = vector.broadcast %add3A_38 : i32 to vector<16xi32>
      %add3A_40 = arith.addi %mul3A_33, %add3A_39 : vector<16xi32>
      %gather3A_41 = tpu.vector_load_idx %arg5[%add3A_40] : memref<4704xi32, #tpu.memory_space<vmem>>[vector<16xi32>], vector<16xi32>,
      %mul3A_42 = arith.constant 160 : i32
      %mul3A_43 = vector.broadcast %mul3A_42 : i32 to vector<16xi32>
      %mul3A_44 = arith.muli %gather3A, %mul3A_43 : vector<16xi32>
      %add3A_45 = arith.addi %mul3A_44, %gather3A_37 : vector<16xi32>
      %mul3A_46 = arith.constant 160 : i32
      %mul3A_47 = vector.broadcast %mul3A_46 : i32 to vector<16xi32>
      %mul3A_48 = arith.muli %add3A_45, %mul3A_47 : vector<16xi32>
      %add3A_49 = arith.addi %mul3A_48, %gather3A_41 : vector<16xi32>
      %swap3A = arith.index_cast %multiple_of3A_28 : i32 to index
      %swap3A_50 = tpu.vector_load %arg6[%swap3A] {strides = array<i32>} : memref<1568xi32, #tpu.memory_space<vmem>>, vector<16xi32>,
      tpu.vector_store %arg6[%swap3A], %add3A_49 {strides = array<i32>} : memref<1568xi32, #tpu.memory_space<vmem>>, vector<16xi32>,
    }
    %scan3A_14 = arith.constant 98 : i32
    %dma_start3A = arith.constant 0 : i32
    %dma_start3A_15 = tpu.memref_slice %arg3[%dma_start3A] : memref<4096000xi32, #tpu.memory_space<hbm>> -> memref<4096000xi32, #tpu.memory_space<hbm>>
    tpu.enqueue_indirect_dma source(%dma_start3A_15 : memref<4096000xi32, #tpu.memory_space<hbm>>) target(%arg7 : memref<1568xi32, #tpu.memory_space<vmem>>) offsets(%arg6 : memref<1568xi32, #tpu.memory_space<vmem>>) semaphore(%arg9 : memref<!tpu.dma_semaphore, #tpu.memory_space<semaphore_mem>>)
    %dma_wait3A = arith.constant 0 : i32
    %dma_wait3A_16 = tpu.memref_slice %arg3[%dma_wait3A] : memref<4096000xi32, #tpu.memory_space<hbm>> -> memref<4096000xi32, #tpu.memory_space<hbm>>
    tpu.wait_indirect_dma semaphore(%arg9 : memref<!tpu.dma_semaphore, #tpu.memory_space<semaphore_mem>>) src(%dma_wait3A_16 : memref<4096000xi32, #tpu.memory_space<hbm>>) dst(%arg7 : memref<1568xi32, #tpu.memory_space<vmem>>)
    %scan3A_17 = arith.constant 0 : i32
    %scan3A_18 = arith.constant 0 : i32
    %scan3A_19 = arith.constant 98 : i32
    %scan3A_20 = arith.addi %scan3A_18, %scan3A_19 : i32
    %scan3A_21 = arith.constant 1 : i32
    scf.for %scan3A_25 = %scan3A_18 to %scan3A_20 step %scan3A_21  : i32 {
      %mul3A_26 = arith.constant 16 : i32
      %mul3A_27 = arith.muli %scan3A_25, %mul3A_26 : i32
      %multiple_of3A_28 = tpu.assume_multiple %mul3A_27, 16 : i32
      %get3A = arith.index_cast %multiple_of3A_28 : i32 to index
      %get3A_29 = tpu.vector_load %arg7[%get3A] {strides = array<i32>} : memref<1568xi32, #tpu.memory_space<vmem>>, vector<16xi32>,
      %add3A_30 = vector.broadcast %multiple_of3A_28 : i32 to vector<16xi32>
      %add3A_31 = arith.addi %iota3A, %add3A_30 : vector<16xi32>
      %mul3A_32 = arith.constant 32 : i32
      %mul3A_33 = vector.broadcast %mul3A_32 : i32 to vector<16xi32>
      %mul3A_34 = arith.muli %add3A_31, %mul3A_33 : vector<16xi32>
      %shift_right_arithmetic3A = arith.constant 0 : i32
      %shift_right_arithmetic3A_35 = vector.broadcast %shift_right_arithmetic3A : i32 to vector<16xi32>
      %shift_right_arithmetic3A_36 = arith.shrsi %get3A_29, %shift_right_arithmetic3A_35 : vector<16xi32>
      %and3A = arith.constant 1 : i32
      %and3A_37 = vector.broadcast %and3A : i32 to vector<16xi32>
      %and3A_38 = arith.andi %shift_right_arithmetic3A_36, %and3A_37 : vector<16xi32>
      %convert_element_type3A = arith.sitofp %and3A_38 : vector<16xi32> to vector<16xf32>
      %add3A_39 = arith.constant 0 : i32
      %add3A_40 = vector.broadcast %add3A_39 : i32 to vector<16xi32>
      %add3A_41 = arith.addi %mul3A_34, %add3A_40 : vector<16xi32>
      tpu.vector_store_idx %arg8[%add3A_41], %convert_element_type3A : memref<50176xf32, #tpu.memory_space<vmem>>[vector<16xi32>], vector<16xf32>,
      %shift_right_arithmetic3A_42 = arith.constant 1 : i32
      %shift_right_arithmetic3A_43 = vector.broadcast %shift_right_arithmetic3A_42 : i32 to vector<16xi32>
      %shift_right_arithmetic3A_44 = arith.shrsi %get3A_29, %shift_right_arithmetic3A_43 : vector<16xi32>
      %and3A_45 = arith.constant 1 : i32
      %and3A_46 = vector.broadcast %and3A_45 : i32 to vector<16xi32>
      %and3A_47 = arith.andi %shift_right_arithmetic3A_44, %and3A_46 : vector<16xi32>
      %convert_element_type3A_48 = arith.sitofp %and3A_47 : vector<16xi32> to vector<16xf32>
      %add3A_49 = arith.constant 1 : i32
      %add3A_50 = vector.broadcast %add3A_49 : i32 to vector<16xi32>
      %add3A_51 = arith.addi %mul3A_34, %add3A_50 : vector<16xi32>
      tpu.vector_store_idx %arg8[%add3A_51], %convert_element_type3A_48 : memref<50176xf32, #tpu.memory_space<vmem>>[vector<16xi32>], vector<16xf32>,
      %shift_right_arithmetic3A_52 = arith.constant 2 : i32
      %shift_right_arithmetic3A_53 = vector.broadcast %shift_right_arithmetic3A_52 : i32 to vector<16xi32>
      %shift_right_arithmetic3A_54 = arith.shrsi %get3A_29, %shift_right_arithmetic3A_53 : vector<16xi32>
      %and3A_55 = arith.constant 1 : i32
      %and3A_56 = vector.broadcast %and3A_55 : i32 to vector<16xi32>
      %and3A_57 = arith.andi %shift_right_arithmetic3A_54, %and3A_56 : vector<16xi32>
      %convert_element_type3A_58 = arith.sitofp %and3A_57 : vector<16xi32> to vector<16xf32>
      %add3A_59 = arith.constant 2 : i32
      %add3A_60 = vector.broadcast %add3A_59 : i32 to vector<16xi32>
      %add3A_61 = arith.addi %mul3A_34, %add3A_60 : vector<16xi32>
      tpu.vector_store_idx %arg8[%add3A_61], %convert_element_type3A_58 : memref<50176xf32, #tpu.memory_space<vmem>>[vector<16xi32>], vector<16xf32>,
      %shift_right_arithmetic3A_62 = arith.constant 3 : i32
      %shift_right_arithmetic3A_63 = vector.broadcast %shift_right_arithmetic3A_62 : i32 to vector<16xi32>
      %shift_right_arithmetic3A_64 = arith.shrsi %get3A_29, %shift_right_arithmetic3A_63 : vector<16xi32>
      %and3A_65 = arith.constant 1 : i32
      %and3A_66 = vector.broadcast %and3A_65 : i32 to vector<16xi32>
      %and3A_67 = arith.andi %shift_right_arithmetic3A_64, %and3A_66 : vector<16xi32>
      %convert_element_type3A_68 = arith.sitofp %and3A_67 : vector<16xi32> to vector<16xf32>
      %add3A_69 = arith.constant 3 : i32
      %add3A_70 = vector.broadcast %add3A_69 : i32 to vector<16xi32>
      %add3A_71 = arith.addi %mul3A_34, %add3A_70 : vector<16xi32>
      tpu.vector_store_idx %arg8[%add3A_71], %convert_element_type3A_68 : memref<50176xf32, #tpu.memory_space<vmem>>[vector<16xi32>], vector<16xf32>,
      %shift_right_arithmetic3A_72 = arith.constant 4 : i32
      %shift_right_arithmetic3A_73 = vector.broadcast %shift_right_arithmetic3A_72 : i32 to vector<16xi32>
      %shift_right_arithmetic3A_74 = arith.shrsi %get3A_29, %shift_right_arithmetic3A_73 : vector<16xi32>
      %and3A_75 = arith.constant 1 : i32
      %and3A_76 = vector.broadcast %and3A_75 : i32 to vector<16xi32>
      %and3A_77 = arith.andi %shift_right_arithmetic3A_74, %and3A_76 : vector<16xi32>
      %convert_element_type3A_78 = arith.sitofp %and3A_77 : vector<16xi32> to vector<16xf32>
      %add3A_79 = arith.constant 4 : i32
      %add3A_80 = vector.broadcast %add3A_79 : i32 to vector<16xi32>
      %add3A_81 = arith.addi %mul3A_34, %add3A_80 : vector<16xi32>
      tpu.vector_store_idx %arg8[%add3A_81], %convert_element_type3A_78 : memref<50176xf32, #tpu.memory_space<vmem>>[vector<16xi32>], vector<16xf32>,
      %shift_right_arithmetic3A_82 = arith.constant 5 : i32
      %shift_right_arithmetic3A_83 = vector.broadcast %shift_right_arithmetic3A_82 : i32 to vector<16xi32>
      %shift_right_arithmetic3A_84 = arith.shrsi %get3A_29, %shift_right_arithmetic3A_83 : vector<16xi32>
      %and3A_85 = arith.constant 1 : i32
      %and3A_86 = vector.broadcast %and3A_85 : i32 to vector<16xi32>
      %and3A_87 = arith.andi %shift_right_arithmetic3A_84, %and3A_86 : vector<16xi32>
      %convert_element_type3A_88 = arith.sitofp %and3A_87 : vector<16xi32> to vector<16xf32>
      %add3A_89 = arith.constant 5 : i32
      %add3A_90 = vector.broadcast %add3A_89 : i32 to vector<16xi32>
      %add3A_91 = arith.addi %mul3A_34, %add3A_90 : vector<16xi32>
      tpu.vector_store_idx %arg8[%add3A_91], %convert_element_type3A_88 : memref<50176xf32, #tpu.memory_space<vmem>>[vector<16xi32>], vector<16xf32>,
      %shift_right_arithmetic3A_92 = arith.constant 6 : i32
      %shift_right_arithmetic3A_93 = vector.broadcast %shift_right_arithmetic3A_92 : i32 to vector<16xi32>
      %shift_right_arithmetic3A_94 = arith.shrsi %get3A_29, %shift_right_arithmetic3A_93 : vector<16xi32>
      %and3A_95 = arith.constant 1 : i32
      %and3A_96 = vector.broadcast %and3A_95 : i32 to vector<16xi32>
      %and3A_97 = arith.andi %shift_right_arithmetic3A_94, %and3A_96 : vector<16xi32>
      %convert_element_type3A_98 = arith.sitofp %and3A_97 : vector<16xi32> to vector<16xf32>
      %add3A_99 = arith.constant 6 : i32
      %add3A_100 = vector.broadcast %add3A_99 : i32 to vector<16xi32>
      %add3A_101 = arith.addi %mul3A_34, %add3A_100 : vector<16xi32>
      tpu.vector_store_idx %arg8[%add3A_101], %convert_element_type3A_98 : memref<50176xf32, #tpu.memory_space<vmem>>[vector<16xi32>], vector<16xf32>,
      %shift_right_arithmetic3A_102 = arith.constant 7 : i32
      %shift_right_arithmetic3A_103 = vector.broadcast %shift_right_arithmetic3A_102 : i32 to vector<16xi32>
      %shift_right_arithmetic3A_104 = arith.shrsi %get3A_29, %shift_right_arithmetic3A_103 : vector<16xi32>
      %and3A_105 = arith.constant 1 : i32
      %and3A_106 = vector.broadcast %and3A_105 : i32 to vector<16xi32>
      %and3A_107 = arith.andi %shift_right_arithmetic3A_104, %and3A_106 : vector<16xi32>
      %convert_element_type3A_108 = arith.sitofp %and3A_107 : vector<16xi32> to vector<16xf32>
      %add3A_109 = arith.constant 7 : i32
      %add3A_110 = vector.broadcast %add3A_109 : i32 to vector<16xi32>
      %add3A_111 = arith.addi %mul3A_34, %add3A_110 : vector<16xi32>
      tpu.vector_store_idx %arg8[%add3A_111], %convert_element_type3A_108 : memref<50176xf32, #tpu.memory_space<vmem>>[vector<16xi32>], vector<16xf32>,
      %shift_right_arithmetic3A_112 = arith.constant 8 : i32
      %shift_right_arithmetic3A_113 = vector.broadcast %shift_right_arithmetic3A_112 : i32 to vector<16xi32>
      %shift_right_arithmetic3A_114 = arith.shrsi %get3A_29, %shift_right_arithmetic3A_113 : vector<16xi32>
      %and3A_115 = arith.constant 1 : i32
      %and3A_116 = vector.broadcast %and3A_115 : i32 to vector<16xi32>
      %and3A_117 = arith.andi %shift_right_arithmetic3A_114, %and3A_116 : vector<16xi32>
      %convert_element_type3A_118 = arith.sitofp %and3A_117 : vector<16xi32> to vector<16xf32>
      %add3A_119 = arith.constant 8 : i32
      %add3A_120 = vector.broadcast %add3A_119 : i32 to vector<16xi32>
      %add3A_121 = arith.addi %mul3A_34, %add3A_120 : vector<16xi32>
      tpu.vector_store_idx %arg8[%add3A_121], %convert_element_type3A_118 : memref<50176xf32, #tpu.memory_space<vmem>>[vector<16xi32>], vector<16xf32>,
      %shift_right_arithmetic3A_122 = arith.constant 9 : i32
      %shift_right_arithmetic3A_123 = vector.broadcast %shift_right_arithmetic3A_122 : i32 to vector<16xi32>
      %shift_right_arithmetic3A_124 = arith.shrsi %get3A_29, %shift_right_arithmetic3A_123 : vector<16xi32>
      %and3A_125 = arith.constant 1 : i32
      %and3A_126 = vector.broadcast %and3A_125 : i32 to vector<16xi32>
      %and3A_127 = arith.andi %shift_right_arithmetic3A_124, %and3A_126 : vector<16xi32>
      %convert_element_type3A_128 = arith.sitofp %and3A_127 : vector<16xi32> to vector<16xf32>
      %add3A_129 = arith.constant 9 : i32
      %add3A_130 = vector.broadcast %add3A_129 : i32 to vector<16xi32>
      %add3A_131 = arith.addi %mul3A_34, %add3A_130 : vector<16xi32>
      tpu.vector_store_idx %arg8[%add3A_131], %convert_element_type3A_128 : memref<50176xf32, #tpu.memory_space<vmem>>[vector<16xi32>], vector<16xf32>,
      %shift_right_arithmetic3A_132 = arith.constant 10 : i32
      %shift_right_arithmetic3A_133 = vector.broadcast %shift_right_arithmetic3A_132 : i32 to vector<16xi32>
      %shift_right_arithmetic3A_134 = arith.shrsi %get3A_29, %shift_right_arithmetic3A_133 : vector<16xi32>
      %and3A_135 = arith.constant 1 : i32
      %and3A_136 = vector.broadcast %and3A_135 : i32 to vector<16xi32>
      %and3A_137 = arith.andi %shift_right_arithmetic3A_134, %and3A_136 : vector<16xi32>
      %convert_element_type3A_138 = arith.sitofp %and3A_137 : vector<16xi32> to vector<16xf32>
      %add3A_139 = arith.constant 10 : i32
      %add3A_140 = vector.broadcast %add3A_139 : i32 to vector<16xi32>
      %add3A_141 = arith.addi %mul3A_34, %add3A_140 : vector<16xi32>
      tpu.vector_store_idx %arg8[%add3A_141], %convert_element_type3A_138 : memref<50176xf32, #tpu.memory_space<vmem>>[vector<16xi32>], vector<16xf32>,
      %shift_right_arithmetic3A_142 = arith.constant 11 : i32
      %shift_right_arithmetic3A_143 = vector.broadcast %shift_right_arithmetic3A_142 : i32 to vector<16xi32>
      %shift_right_arithmetic3A_144 = arith.shrsi %get3A_29, %shift_right_arithmetic3A_143 : vector<16xi32>
      %and3A_145 = arith.constant 1 : i32
      %and3A_146 = vector.broadcast %and3A_145 : i32 to vector<16xi32>
      %and3A_147 = arith.andi %shift_right_arithmetic3A_144, %and3A_146 : vector<16xi32>
      %convert_element_type3A_148 = arith.sitofp %and3A_147 : vector<16xi32> to vector<16xf32>
      %add3A_149 = arith.constant 11 : i32
      %add3A_150 = vector.broadcast %add3A_149 : i32 to vector<16xi32>
      %add3A_151 = arith.addi %mul3A_34, %add3A_150 : vector<16xi32>
      tpu.vector_store_idx %arg8[%add3A_151], %convert_element_type3A_148 : memref<50176xf32, #tpu.memory_space<vmem>>[vector<16xi32>], vector<16xf32>,
      %shift_right_arithmetic3A_152 = arith.constant 12 : i32
      %shift_right_arithmetic3A_153 = vector.broadcast %shift_right_arithmetic3A_152 : i32 to vector<16xi32>
      %shift_right_arithmetic3A_154 = arith.shrsi %get3A_29, %shift_right_arithmetic3A_153 : vector<16xi32>
      %and3A_155 = arith.constant 1 : i32
      %and3A_156 = vector.broadcast %and3A_155 : i32 to vector<16xi32>
      %and3A_157 = arith.andi %shift_right_arithmetic3A_154, %and3A_156 : vector<16xi32>
      %convert_element_type3A_158 = arith.sitofp %and3A_157 : vector<16xi32> to vector<16xf32>
      %add3A_159 = arith.constant 12 : i32
      %add3A_160 = vector.broadcast %add3A_159 : i32 to vector<16xi32>
      %add3A_161 = arith.addi %mul3A_34, %add3A_160 : vector<16xi32>
      tpu.vector_store_idx %arg8[%add3A_161], %convert_element_type3A_158 : memref<50176xf32, #tpu.memory_space<vmem>>[vector<16xi32>], vector<16xf32>,
      %shift_right_arithmetic3A_162 = arith.constant 13 : i32
      %shift_right_arithmetic3A_163 = vector.broadcast %shift_right_arithmetic3A_162 : i32 to vector<16xi32>
      %shift_right_arithmetic3A_164 = arith.shrsi %get3A_29, %shift_right_arithmetic3A_163 : vector<16xi32>
      %and3A_165 = arith.constant 1 : i32
      %and3A_166 = vector.broadcast %and3A_165 : i32 to vector<16xi32>
      %and3A_167 = arith.andi %shift_right_arithmetic3A_164, %and3A_166 : vector<16xi32>
      %convert_element_type3A_168 = arith.sitofp %and3A_167 : vector<16xi32> to vector<16xf32>
      %add3A_169 = arith.constant 13 : i32
      %add3A_170 = vector.broadcast %add3A_169 : i32 to vector<16xi32>
      %add3A_171 = arith.addi %mul3A_34, %add3A_170 : vector<16xi32>
      tpu.vector_store_idx %arg8[%add3A_171], %convert_element_type3A_168 : memref<50176xf32, #tpu.memory_space<vmem>>[vector<16xi32>], vector<16xf32>,
      %shift_right_arithmetic3A_172 = arith.constant 14 : i32
      %shift_right_arithmetic3A_173 = vector.broadcast %shift_right_arithmetic3A_172 : i32 to vector<16xi32>
      %shift_right_arithmetic3A_174 = arith.shrsi %get3A_29, %shift_right_arithmetic3A_173 : vector<16xi32>
      %and3A_175 = arith.constant 1 : i32
      %and3A_176 = vector.broadcast %and3A_175 : i32 to vector<16xi32>
      %and3A_177 = arith.andi %shift_right_arithmetic3A_174, %and3A_176 : vector<16xi32>
      %convert_element_type3A_178 = arith.sitofp %and3A_177 : vector<16xi32> to vector<16xf32>
      %add3A_179 = arith.constant 14 : i32
      %add3A_180 = vector.broadcast %add3A_179 : i32 to vector<16xi32>
      %add3A_181 = arith.addi %mul3A_34, %add3A_180 : vector<16xi32>
      tpu.vector_store_idx %arg8[%add3A_181], %convert_element_type3A_178 : memref<50176xf32, #tpu.memory_space<vmem>>[vector<16xi32>], vector<16xf32>,
      %shift_right_arithmetic3A_182 = arith.constant 15 : i32
      %shift_right_arithmetic3A_183 = vector.broadcast %shift_right_arithmetic3A_182 : i32 to vector<16xi32>
      %shift_right_arithmetic3A_184 = arith.shrsi %get3A_29, %shift_right_arithmetic3A_183 : vector<16xi32>
      %and3A_185 = arith.constant 1 : i32
      %and3A_186 = vector.broadcast %and3A_185 : i32 to vector<16xi32>
      %and3A_187 = arith.andi %shift_right_arithmetic3A_184, %and3A_186 : vector<16xi32>
      %convert_element_type3A_188 = arith.sitofp %and3A_187 : vector<16xi32> to vector<16xf32>
      %add3A_189 = arith.constant 15 : i32
      %add3A_190 = vector.broadcast %add3A_189 : i32 to vector<16xi32>
      %add3A_191 = arith.addi %mul3A_34, %add3A_190 : vector<16xi32>
      tpu.vector_store_idx %arg8[%add3A_191], %convert_element_type3A_188 : memref<50176xf32, #tpu.memory_space<vmem>>[vector<16xi32>], vector<16xf32>,
      %shift_right_arithmetic3A_192 = arith.constant 16 : i32
      %shift_right_arithmetic3A_193 = vector.broadcast %shift_right_arithmetic3A_192 : i32 to vector<16xi32>
      %shift_right_arithmetic3A_194 = arith.shrsi %get3A_29, %shift_right_arithmetic3A_193 : vector<16xi32>
      %and3A_195 = arith.constant 1 : i32
      %and3A_196 = vector.broadcast %and3A_195 : i32 to vector<16xi32>
      %and3A_197 = arith.andi %shift_right_arithmetic3A_194, %and3A_196 : vector<16xi32>
      %convert_element_type3A_198 = arith.sitofp %and3A_197 : vector<16xi32> to vector<16xf32>
      %add3A_199 = arith.constant 16 : i32
      %add3A_200 = vector.broadcast %add3A_199 : i32 to vector<16xi32>
      %add3A_201 = arith.addi %mul3A_34, %add3A_200 : vector<16xi32>
      tpu.vector_store_idx %arg8[%add3A_201], %convert_element_type3A_198 : memref<50176xf32, #tpu.memory_space<vmem>>[vector<16xi32>], vector<16xf32>,
      %shift_right_arithmetic3A_202 = arith.constant 17 : i32
      %shift_right_arithmetic3A_203 = vector.broadcast %shift_right_arithmetic3A_202 : i32 to vector<16xi32>
      %shift_right_arithmetic3A_204 = arith.shrsi %get3A_29, %shift_right_arithmetic3A_203 : vector<16xi32>
      %and3A_205 = arith.constant 1 : i32
      %and3A_206 = vector.broadcast %and3A_205 : i32 to vector<16xi32>
      %and3A_207 = arith.andi %shift_right_arithmetic3A_204, %and3A_206 : vector<16xi32>
      %convert_element_type3A_208 = arith.sitofp %and3A_207 : vector<16xi32> to vector<16xf32>
      %add3A_209 = arith.constant 17 : i32
      %add3A_210 = vector.broadcast %add3A_209 : i32 to vector<16xi32>
      %add3A_211 = arith.addi %mul3A_34, %add3A_210 : vector<16xi32>
      tpu.vector_store_idx %arg8[%add3A_211], %convert_element_type3A_208 : memref<50176xf32, #tpu.memory_space<vmem>>[vector<16xi32>], vector<16xf32>,
      %shift_right_arithmetic3A_212 = arith.constant 18 : i32
      %shift_right_arithmetic3A_213 = vector.broadcast %shift_right_arithmetic3A_212 : i32 to vector<16xi32>
      %shift_right_arithmetic3A_214 = arith.shrsi %get3A_29, %shift_right_arithmetic3A_213 : vector<16xi32>
      %and3A_215 = arith.constant 1 : i32
      %and3A_216 = vector.broadcast %and3A_215 : i32 to vector<16xi32>
      %and3A_217 = arith.andi %shift_right_arithmetic3A_214, %and3A_216 : vector<16xi32>
      %convert_element_type3A_218 = arith.sitofp %and3A_217 : vector<16xi32> to vector<16xf32>
      %add3A_219 = arith.constant 18 : i32
      %add3A_220 = vector.broadcast %add3A_219 : i32 to vector<16xi32>
      %add3A_221 = arith.addi %mul3A_34, %add3A_220 : vector<16xi32>
      tpu.vector_store_idx %arg8[%add3A_221], %convert_element_type3A_218 : memref<50176xf32, #tpu.memory_space<vmem>>[vector<16xi32>], vector<16xf32>,
      %shift_right_arithmetic3A_222 = arith.constant 19 : i32
      %shift_right_arithmetic3A_223 = vector.broadcast %shift_right_arithmetic3A_222 : i32 to vector<16xi32>
      %shift_right_arithmetic3A_224 = arith.shrsi %get3A_29, %shift_right_arithmetic3A_223 : vector<16xi32>
      %and3A_225 = arith.constant 1 : i32
      %and3A_226 = vector.broadcast %and3A_225 : i32 to vector<16xi32>
      %and3A_227 = arith.andi %shift_right_arithmetic3A_224, %and3A_226 : vector<16xi32>
      %convert_element_type3A_228 = arith.sitofp %and3A_227 : vector<16xi32> to vector<16xf32>
      %add3A_229 = arith.constant 19 : i32
      %add3A_230 = vector.broadcast %add3A_229 : i32 to vector<16xi32>
      %add3A_231 = arith.addi %mul3A_34, %add3A_230 : vector<16xi32>
      tpu.vector_store_idx %arg8[%add3A_231], %convert_element_type3A_228 : memref<50176xf32, #tpu.memory_space<vmem>>[vector<16xi32>], vector<16xf32>,
      %shift_right_arithmetic3A_232 = arith.constant 20 : i32
      %shift_right_arithmetic3A_233 = vector.broadcast %shift_right_arithmetic3A_232 : i32 to vector<16xi32>
      %shift_right_arithmetic3A_234 = arith.shrsi %get3A_29, %shift_right_arithmetic3A_233 : vector<16xi32>
      %and3A_235 = arith.constant 1 : i32
      %and3A_236 = vector.broadcast %and3A_235 : i32 to vector<16xi32>
      %and3A_237 = arith.andi %shift_right_arithmetic3A_234, %and3A_236 : vector<16xi32>
      %convert_element_type3A_238 = arith.sitofp %and3A_237 : vector<16xi32> to vector<16xf32>
      %add3A_239 = arith.constant 20 : i32
      %add3A_240 = vector.broadcast %add3A_239 : i32 to vector<16xi32>
      %add3A_241 = arith.addi %mul3A_34, %add3A_240 : vector<16xi32>
      tpu.vector_store_idx %arg8[%add3A_241], %convert_element_type3A_238 : memref<50176xf32, #tpu.memory_space<vmem>>[vector<16xi32>], vector<16xf32>,
      %shift_right_arithmetic3A_242 = arith.constant 21 : i32
      %shift_right_arithmetic3A_243 = vector.broadcast %shift_right_arithmetic3A_242 : i32 to vector<16xi32>
      %shift_right_arithmetic3A_244 = arith.shrsi %get3A_29, %shift_right_arithmetic3A_243 : vector<16xi32>
      %and3A_245 = arith.constant 1 : i32
      %and3A_246 = vector.broadcast %and3A_245 : i32 to vector<16xi32>
      %and3A_247 = arith.andi %shift_right_arithmetic3A_244, %and3A_246 : vector<16xi32>
      %convert_element_type3A_248 = arith.sitofp %and3A_247 : vector<16xi32> to vector<16xf32>
      %add3A_249 = arith.constant 21 : i32
      %add3A_250 = vector.broadcast %add3A_249 : i32 to vector<16xi32>
      %add3A_251 = arith.addi %mul3A_34, %add3A_250 : vector<16xi32>
      tpu.vector_store_idx %arg8[%add3A_251], %convert_element_type3A_248 : memref<50176xf32, #tpu.memory_space<vmem>>[vector<16xi32>], vector<16xf32>,
      %shift_right_arithmetic3A_252 = arith.constant 22 : i32
      %shift_right_arithmetic3A_253 = vector.broadcast %shift_right_arithmetic3A_252 : i32 to vector<16xi32>
      %shift_right_arithmetic3A_254 = arith.shrsi %get3A_29, %shift_right_arithmetic3A_253 : vector<16xi32>
      %and3A_255 = arith.constant 1 : i32
      %and3A_256 = vector.broadcast %and3A_255 : i32 to vector<16xi32>
      %and3A_257 = arith.andi %shift_right_arithmetic3A_254, %and3A_256 : vector<16xi32>
      %convert_element_type3A_258 = arith.sitofp %and3A_257 : vector<16xi32> to vector<16xf32>
      %add3A_259 = arith.constant 22 : i32
      %add3A_260 = vector.broadcast %add3A_259 : i32 to vector<16xi32>
      %add3A_261 = arith.addi %mul3A_34, %add3A_260 : vector<16xi32>
      tpu.vector_store_idx %arg8[%add3A_261], %convert_element_type3A_258 : memref<50176xf32, #tpu.memory_space<vmem>>[vector<16xi32>], vector<16xf32>,
      %shift_right_arithmetic3A_262 = arith.constant 23 : i32
      %shift_right_arithmetic3A_263 = vector.broadcast %shift_right_arithmetic3A_262 : i32 to vector<16xi32>
      %shift_right_arithmetic3A_264 = arith.shrsi %get3A_29, %shift_right_arithmetic3A_263 : vector<16xi32>
      %and3A_265 = arith.constant 1 : i32
      %and3A_266 = vector.broadcast %and3A_265 : i32 to vector<16xi32>
      %and3A_267 = arith.andi %shift_right_arithmetic3A_264, %and3A_266 : vector<16xi32>
      %convert_element_type3A_268 = arith.sitofp %and3A_267 : vector<16xi32> to vector<16xf32>
      %add3A_269 = arith.constant 23 : i32
      %add3A_270 = vector.broadcast %add3A_269 : i32 to vector<16xi32>
      %add3A_271 = arith.addi %mul3A_34, %add3A_270 : vector<16xi32>
      tpu.vector_store_idx %arg8[%add3A_271], %convert_element_type3A_268 : memref<50176xf32, #tpu.memory_space<vmem>>[vector<16xi32>], vector<16xf32>,
      %shift_right_arithmetic3A_272 = arith.constant 24 : i32
      %shift_right_arithmetic3A_273 = vector.broadcast %shift_right_arithmetic3A_272 : i32 to vector<16xi32>
      %shift_right_arithmetic3A_274 = arith.shrsi %get3A_29, %shift_right_arithmetic3A_273 : vector<16xi32>
      %and3A_275 = arith.constant 1 : i32
      %and3A_276 = vector.broadcast %and3A_275 : i32 to vector<16xi32>
      %and3A_277 = arith.andi %shift_right_arithmetic3A_274, %and3A_276 : vector<16xi32>
      %convert_element_type3A_278 = arith.sitofp %and3A_277 : vector<16xi32> to vector<16xf32>
      %add3A_279 = arith.constant 24 : i32
      %add3A_280 = vector.broadcast %add3A_279 : i32 to vector<16xi32>
      %add3A_281 = arith.addi %mul3A_34, %add3A_280 : vector<16xi32>
      tpu.vector_store_idx %arg8[%add3A_281], %convert_element_type3A_278 : memref<50176xf32, #tpu.memory_space<vmem>>[vector<16xi32>], vector<16xf32>,
      %shift_right_arithmetic3A_282 = arith.constant 25 : i32
      %shift_right_arithmetic3A_283 = vector.broadcast %shift_right_arithmetic3A_282 : i32 to vector<16xi32>
      %shift_right_arithmetic3A_284 = arith.shrsi %get3A_29, %shift_right_arithmetic3A_283 : vector<16xi32>
      %and3A_285 = arith.constant 1 : i32
      %and3A_286 = vector.broadcast %and3A_285 : i32 to vector<16xi32>
      %and3A_287 = arith.andi %shift_right_arithmetic3A_284, %and3A_286 : vector<16xi32>
      %convert_element_type3A_288 = arith.sitofp %and3A_287 : vector<16xi32> to vector<16xf32>
      %add3A_289 = arith.constant 25 : i32
      %add3A_290 = vector.broadcast %add3A_289 : i32 to vector<16xi32>
      %add3A_291 = arith.addi %mul3A_34, %add3A_290 : vector<16xi32>
      tpu.vector_store_idx %arg8[%add3A_291], %convert_element_type3A_288 : memref<50176xf32, #tpu.memory_space<vmem>>[vector<16xi32>], vector<16xf32>,
      %shift_right_arithmetic3A_292 = arith.constant 26 : i32
      %shift_right_arithmetic3A_293 = vector.broadcast %shift_right_arithmetic3A_292 : i32 to vector<16xi32>
      %shift_right_arithmetic3A_294 = arith.shrsi %get3A_29, %shift_right_arithmetic3A_293 : vector<16xi32>
      %and3A_295 = arith.constant 1 : i32
      %and3A_296 = vector.broadcast %and3A_295 : i32 to vector<16xi32>
      %and3A_297 = arith.andi %shift_right_arithmetic3A_294, %and3A_296 : vector<16xi32>
      %convert_element_type3A_298 = arith.sitofp %and3A_297 : vector<16xi32> to vector<16xf32>
      %add3A_299 = arith.constant 26 : i32
      %add3A_300 = vector.broadcast %add3A_299 : i32 to vector<16xi32>
      %add3A_301 = arith.addi %mul3A_34, %add3A_300 : vector<16xi32>
      tpu.vector_store_idx %arg8[%add3A_301], %convert_element_type3A_298 : memref<50176xf32, #tpu.memory_space<vmem>>[vector<16xi32>], vector<16xf32>,
    }
    %scan3A_22 = arith.constant 98 : i32
    %mul3A_23 = arith.constant 32 : i32
    %mul3A_24 = arith.muli %multiple_of3A, %mul3A_23 : i32
    "tpu.region"() ({
      %run_scoped3A = tpu.sem_alloc : memref<!tpu.dma_semaphore, #tpu.memory_space<semaphore_mem>>
      %dma_start3A_25 = tpu.memref_slice %arg4[%mul3A_24] : memref<1605632xf32, #tpu.memory_space<hbm>> -> memref<50176xf32, #tpu.memory_space<hbm>>
      %dma_start3A_26 = tpu.memref_slice %arg4[%mul3A_24] : memref<1605632xf32, #tpu.memory_space<hbm>> -> memref<50176xf32, #tpu.memory_space<hbm>>
      tpu.enqueue_dma source(%arg8 : memref<50176xf32, #tpu.memory_space<vmem>>) target(%dma_start3A_26 : memref<50176xf32, #tpu.memory_space<hbm>>) target_semaphore(%run_scoped3A : memref<!tpu.dma_semaphore, #tpu.memory_space<semaphore_mem>>)
      %dma_wait3A_27 = tpu.memref_slice %arg4[%mul3A_24] : memref<1605632xf32, #tpu.memory_space<hbm>> -> memref<50176xf32, #tpu.memory_space<hbm>>
      %dma_wait3A_28 = tpu.memref_slice %arg4[%mul3A_24] : memref<1605632xf32, #tpu.memory_space<hbm>> -> memref<50176xf32, #tpu.memory_space<hbm>>
      tpu.wait_dma2 semaphore(%run_scoped3A : memref<!tpu.dma_semaphore, #tpu.memory_space<semaphore_mem>>) src(%arg8 : memref<50176xf32, #tpu.memory_space<vmem>>) dst(%dma_wait3A_28 : memref<50176xf32, #tpu.memory_space<hbm>>)
      tpu.yield
    }) : () -> ()
    return
  }
}

module attributes {stable_mosaic.version = 14 : i64} {
  func.func @_pack_zy_body(%arg0: i32, %arg1: memref<10x160x160xf32, #tpu.memory_space<vmem>>, %arg2: memref<10x160x160xi32, #tpu.memory_space<vmem>>) attributes {dimension_semantics = [#tpu.dimension_semantics<arbitrary>], iteration_bounds = array<i64: 16>, scalar_prefetch = 0 : i64, scratch_operands = 0 : i64, tpu.core_type = #tpu.core_type<tc>, window_params = [{transform_indices = @transform_0, window_bounds = array<i64: 10, 160, 160>}, {transform_indices = @transform_1, window_bounds = array<i64: 10, 160, 160>}]} {
    %get3A = arith.constant 0 : index
    %get3A_0 = arith.constant 0 : index
    %get3A_1 = arith.constant 0 : index
    %get3A_2 = vector.load %arg1[%get3A, %get3A_0, %get3A_1] : memref<10x160x160xf32, #tpu.memory_space<vmem>>, vector<10x160x160xf32>
    %ne3A = arith.constant 0.000000e+00 : f32
    %ne3A_3 = vector.broadcast %ne3A : f32 to vector<10x160x160xf32>
    %ne3A_4 = arith.cmpf one, %get3A_2, %ne3A_3 : vector<10x160x160xf32>
    %convert_element_type3A = arith.extui %ne3A_4 : vector<10x160x160xi1> to vector<10x160x160xi32>
    %slice3A = vector.extract_strided_slice %convert_element_type3A {offsets = [0, 0, 159], sizes = [10, 160, 1], strides = [1, 1, 1]} : vector<10x160x160xi32> to vector<10x160x1xi32>
    %slice3A_5 = vector.extract_strided_slice %convert_element_type3A {offsets = [0, 0, 0], sizes = [10, 160, 159], strides = [1, 1, 1]} : vector<10x160x160xi32> to vector<10x160x159xi32>
    %concatenate3A = tpu.concatenate %slice3A, %slice3A_5 in 2 : vector<10x160x1xi32>, vector<10x160x159xi32> -> vector<10x160x160xi32>
    %shift_left3A = arith.constant 1 : i32
    %shift_left3A_6 = vector.broadcast %shift_left3A : i32 to vector<10x160x160xi32>
    %shift_left3A_7 = arith.shli %convert_element_type3A, %shift_left3A_6 : vector<10x160x160xi32>
    %or3A = arith.ori %concatenate3A, %shift_left3A_7 : vector<10x160x160xi32>
    %slice3A_8 = vector.extract_strided_slice %convert_element_type3A {offsets = [0, 0, 1], sizes = [10, 160, 159], strides = [1, 1, 1]} : vector<10x160x160xi32> to vector<10x160x159xi32>
    %slice3A_9 = vector.extract_strided_slice %convert_element_type3A {offsets = [0, 0, 0], sizes = [10, 160, 1], strides = [1, 1, 1]} : vector<10x160x160xi32> to vector<10x160x1xi32>
    %concatenate3A_10 = tpu.concatenate %slice3A_8, %slice3A_9 in 2 : vector<10x160x159xi32>, vector<10x160x1xi32> -> vector<10x160x160xi32>
    %shift_left3A_11 = arith.constant 2 : i32
    %shift_left3A_12 = vector.broadcast %shift_left3A_11 : i32 to vector<10x160x160xi32>
    %shift_left3A_13 = arith.shli %concatenate3A_10, %shift_left3A_12 : vector<10x160x160xi32>
    %or3A_14 = arith.ori %or3A, %shift_left3A_13 : vector<10x160x160xi32>
    %slice3A_15 = vector.extract_strided_slice %or3A_14 {offsets = [0, 159, 0], sizes = [10, 1, 160], strides = [1, 1, 1]} : vector<10x160x160xi32> to vector<10x1x160xi32>
    %slice3A_16 = vector.extract_strided_slice %or3A_14 {offsets = [0, 0, 0], sizes = [10, 159, 160], strides = [1, 1, 1]} : vector<10x160x160xi32> to vector<10x159x160xi32>
    %concatenate3A_17 = tpu.concatenate %slice3A_15, %slice3A_16 in 1 : vector<10x1x160xi32>, vector<10x159x160xi32> -> vector<10x160x160xi32>
    %shift_left3A_18 = arith.constant 3 : i32
    %shift_left3A_19 = vector.broadcast %shift_left3A_18 : i32 to vector<10x160x160xi32>
    %shift_left3A_20 = arith.shli %or3A_14, %shift_left3A_19 : vector<10x160x160xi32>
    %or3A_21 = arith.ori %concatenate3A_17, %shift_left3A_20 : vector<10x160x160xi32>
    %slice3A_22 = vector.extract_strided_slice %or3A_14 {offsets = [0, 1, 0], sizes = [10, 159, 160], strides = [1, 1, 1]} : vector<10x160x160xi32> to vector<10x159x160xi32>
    %slice3A_23 = vector.extract_strided_slice %or3A_14 {offsets = [0, 0, 0], sizes = [10, 1, 160], strides = [1, 1, 1]} : vector<10x160x160xi32> to vector<10x1x160xi32>
    %concatenate3A_24 = tpu.concatenate %slice3A_22, %slice3A_23 in 1 : vector<10x159x160xi32>, vector<10x1x160xi32> -> vector<10x160x160xi32>
    %shift_left3A_25 = arith.constant 6 : i32
    %shift_left3A_26 = vector.broadcast %shift_left3A_25 : i32 to vector<10x160x160xi32>
    %shift_left3A_27 = arith.shli %concatenate3A_24, %shift_left3A_26 : vector<10x160x160xi32>
    %or3A_28 = arith.ori %or3A_21, %shift_left3A_27 : vector<10x160x160xi32>
    %swap3A = arith.constant 0 : index
    %swap3A_29 = arith.constant 0 : index
    %swap3A_30 = arith.constant 0 : index
    %swap3A_31 = vector.load %arg2[%swap3A, %swap3A_29, %swap3A_30] : memref<10x160x160xi32, #tpu.memory_space<vmem>>, vector<10x160x160xi32>
    tpu.vector_store %arg2[%swap3A, %swap3A_29, %swap3A_30], %or3A_28 {strides = array<i32>} : memref<10x160x160xi32, #tpu.memory_space<vmem>>, vector<10x160x160xi32>,
    return
  }
  func.func @transform_0(%arg0: i32) -> (i32, i32, i32) {
    %c0_i32 = arith.constant 0 : i32
    %c0_i32_0 = arith.constant 0 : i32
    %c0_i32_1 = arith.constant 0 : i32
    return %arg0, %c0_i32, %c0_i32_0 : i32, i32, i32
  }
  func.func @transform_1(%arg0: i32) -> (i32, i32, i32) {
    %c0_i32 = arith.constant 0 : i32
    %c0_i32_0 = arith.constant 0 : i32
    %c0_i32_1 = arith.constant 0 : i32
    return %arg0, %c0_i32, %c0_i32_0 : i32, i32, i32
  }
}

module attributes {stable_mosaic.version = 14 : i64} {
  func.func @_pack_x_body(%arg0: i32, %arg1: memref<160x8x160xi32, #tpu.memory_space<vmem>>, %arg2: memref<160x8x160xi32, #tpu.memory_space<vmem>>) attributes {dimension_semantics = [#tpu.dimension_semantics<arbitrary>], iteration_bounds = array<i64: 20>, scalar_prefetch = 0 : i64, scratch_operands = 0 : i64, tpu.core_type = #tpu.core_type<tc>, window_params = [{transform_indices = @transform_0, window_bounds = array<i64: 160, 8, 160>}, {transform_indices = @transform_1, window_bounds = array<i64: 160, 8, 160>}]} {
    %get3A = arith.constant 0 : index
    %get3A_0 = arith.constant 0 : index
    %get3A_1 = arith.constant 0 : index
    %get3A_2 = vector.load %arg1[%get3A, %get3A_0, %get3A_1] : memref<160x8x160xi32, #tpu.memory_space<vmem>>, vector<160x8x160xi32>
    %slice3A = vector.extract_strided_slice %get3A_2 {offsets = [159, 0, 0], sizes = [1, 8, 160], strides = [1, 1, 1]} : vector<160x8x160xi32> to vector<1x8x160xi32>
    %slice3A_3 = vector.extract_strided_slice %get3A_2 {offsets = [0, 0, 0], sizes = [159, 8, 160], strides = [1, 1, 1]} : vector<160x8x160xi32> to vector<159x8x160xi32>
    %concatenate3A = tpu.concatenate %slice3A, %slice3A_3 in 0 : vector<1x8x160xi32>, vector<159x8x160xi32> -> vector<160x8x160xi32>
    %shift_left3A = arith.constant 9 : i32
    %shift_left3A_4 = vector.broadcast %shift_left3A : i32 to vector<160x8x160xi32>
    %shift_left3A_5 = arith.shli %get3A_2, %shift_left3A_4 : vector<160x8x160xi32>
    %or3A = arith.ori %concatenate3A, %shift_left3A_5 : vector<160x8x160xi32>
    %slice3A_6 = vector.extract_strided_slice %get3A_2 {offsets = [1, 0, 0], sizes = [159, 8, 160], strides = [1, 1, 1]} : vector<160x8x160xi32> to vector<159x8x160xi32>
    %slice3A_7 = vector.extract_strided_slice %get3A_2 {offsets = [0, 0, 0], sizes = [1, 8, 160], strides = [1, 1, 1]} : vector<160x8x160xi32> to vector<1x8x160xi32>
    %concatenate3A_8 = tpu.concatenate %slice3A_6, %slice3A_7 in 0 : vector<159x8x160xi32>, vector<1x8x160xi32> -> vector<160x8x160xi32>
    %shift_left3A_9 = arith.constant 18 : i32
    %shift_left3A_10 = vector.broadcast %shift_left3A_9 : i32 to vector<160x8x160xi32>
    %shift_left3A_11 = arith.shli %concatenate3A_8, %shift_left3A_10 : vector<160x8x160xi32>
    %or3A_12 = arith.ori %or3A, %shift_left3A_11 : vector<160x8x160xi32>
    %swap3A = arith.constant 0 : index
    %swap3A_13 = arith.constant 0 : index
    %swap3A_14 = arith.constant 0 : index
    %swap3A_15 = vector.load %arg2[%swap3A, %swap3A_13, %swap3A_14] : memref<160x8x160xi32, #tpu.memory_space<vmem>>, vector<160x8x160xi32>
    tpu.vector_store %arg2[%swap3A, %swap3A_13, %swap3A_14], %or3A_12 {strides = array<i32>} : memref<160x8x160xi32, #tpu.memory_space<vmem>>, vector<160x8x160xi32>,
    return
  }
  func.func @transform_0(%arg0: i32) -> (i32, i32, i32) {
    %c0_i32 = arith.constant 0 : i32
    %c0_i32_0 = arith.constant 0 : i32
    %c0_i32_1 = arith.constant 0 : i32
    return %c0_i32, %arg0, %c0_i32_0 : i32, i32, i32
  }
  func.func @transform_1(%arg0: i32) -> (i32, i32, i32) {
    %c0_i32 = arith.constant 0 : i32
    %c0_i32_0 = arith.constant 0 : i32
    %c0_i32_1 = arith.constant 0 : i32
    return %c0_i32, %arg0, %c0_i32_0 : i32, i32, i32
  }
}

module attributes {stable_mosaic.version = 14 : i64} {
  func.func @_tc_body_first(%arg0: i32, %arg1: memref<1024x128xf32, #tpu.memory_space<vmem>>, %arg2: memref<1024x32xf32, #tpu.memory_space<vmem>>, %arg3: memref<128x3456xbf16, #tpu.memory_space<vmem>>, %arg4: memref<1024x128xf32, #tpu.memory_space<vmem>>) attributes {dimension_semantics = [#tpu.dimension_semantics<arbitrary>], iteration_bounds = array<i64: 49>, scalar_prefetch = 0 : i64, scratch_operands = 0 : i64, tpu.core_type = #tpu.core_type<tc>, window_params = [{transform_indices = @transform_0, window_bounds = array<i64: 1024, 128>}, {transform_indices = @transform_1, window_bounds = array<i64: 1024, 32>}, {pipeline_mode = #tpu.pipeline_mode<synchronous>, transform_indices = @transform_2, window_bounds = array<i64: 128, 3456>}, {transform_indices = @transform_3, window_bounds = array<i64: 1024, 128>}]} {
    %get3A = arith.constant 0 : index
    %get3A_0 = arith.constant 0 : index
    %get3A_1 = vector.load %arg1[%get3A, %get3A_0] : memref<1024x128xf32, #tpu.memory_space<vmem>>, vector<1024x128xf32>
    %convert_element_type3A = arith.truncf %get3A_1 : vector<1024x128xf32> to vector<1024x128xbf16>
    %get3A_2 = arith.constant 0 : index
    %get3A_3 = arith.constant 0 : index
    %get3A_4 = vector.load %arg3[%get3A_2, %get3A_3] : memref<128x3456xbf16, #tpu.memory_space<vmem>>, vector<128x3456xbf16>
    %dot_general3A = arith.constant dense<0.000000e+00> : vector<1024x3456xf32>
    %dot_general3A_5 = tpu.matmul %convert_element_type3A, %get3A_4, %dot_general3A {dimension_numbers = #tpu.dot_dimension_numbers<[1], [0], [0], [1], [0, 0, 1, 1], [], []>, transpose_lhs_hint = false} : vector<1024x128xbf16>, vector<128x3456xbf16>, vector<1024x3456xf32> -> vector<1024x3456xf32>
    %get3A_6 = arith.constant 0 : index
    %get3A_7 = arith.constant 0 : index
    %get3A_8 = vector.load %arg2[%get3A_6, %get3A_7] : memref<1024x32xf32, #tpu.memory_space<vmem>>, vector<1024x32xf32>
    %ne3A = arith.constant 0.000000e+00 : f32
    %ne3A_9 = vector.broadcast %ne3A : f32 to vector<1024x32xf32>
    %ne3A_10 = arith.cmpf one, %get3A_8, %ne3A_9 : vector<1024x32xf32>
    %convert_element_type3A_11 = arith.extui %ne3A_10 : vector<1024x32xi1> to vector<1024x32xi32>
    %convert_element_type3A_12 = arith.sitofp %convert_element_type3A_11 : vector<1024x32xi32> to vector<1024x32xf32>
    %broadcast_in_dim3A = arith.constant 0.000000e+00 : f32
    %broadcast_in_dim3A_13 = vector.broadcast %broadcast_in_dim3A : f32 to vector<1024x128xf32>
    %slice3A = vector.extract_strided_slice %convert_element_type3A_12 {offsets = [0, 0], sizes = [1024, 1], strides = [1, 1]} : vector<1024x32xf32> to vector<1024x1xf32>
    %slice3A_14 = vector.extract_strided_slice %dot_general3A_5 {offsets = [0, 0], sizes = [1024, 128], strides = [1, 1]} : vector<1024x3456xf32> to vector<1024x128xf32>
    %mul3A = vector.broadcast %slice3A : vector<1024x1xf32> to vector<1024x128xf32>
    %mul3A_15 = arith.mulf %mul3A, %slice3A_14 : vector<1024x128xf32>
    %add3A = arith.addf %broadcast_in_dim3A_13, %mul3A_15 : vector<1024x128xf32>
    %slice3A_16 = vector.extract_strided_slice %convert_element_type3A_12 {offsets = [0, 1], sizes = [1024, 1], strides = [1, 1]} : vector<1024x32xf32> to vector<1024x1xf32>
    %slice3A_17 = vector.extract_strided_slice %dot_general3A_5 {offsets = [0, 128], sizes = [1024, 128], strides = [1, 1]} : vector<1024x3456xf32> to vector<1024x128xf32>
    %mul3A_18 = vector.broadcast %slice3A_16 : vector<1024x1xf32> to vector<1024x128xf32>
    %mul3A_19 = arith.mulf %mul3A_18, %slice3A_17 : vector<1024x128xf32>
    %add3A_20 = arith.addf %add3A, %mul3A_19 : vector<1024x128xf32>
    %slice3A_21 = vector.extract_strided_slice %convert_element_type3A_12 {offsets = [0, 2], sizes = [1024, 1], strides = [1, 1]} : vector<1024x32xf32> to vector<1024x1xf32>
    %slice3A_22 = vector.extract_strided_slice %dot_general3A_5 {offsets = [0, 256], sizes = [1024, 128], strides = [1, 1]} : vector<1024x3456xf32> to vector<1024x128xf32>
    %mul3A_23 = vector.broadcast %slice3A_21 : vector<1024x1xf32> to vector<1024x128xf32>
    %mul3A_24 = arith.mulf %mul3A_23, %slice3A_22 : vector<1024x128xf32>
    %add3A_25 = arith.addf %add3A_20, %mul3A_24 : vector<1024x128xf32>
    %slice3A_26 = vector.extract_strided_slice %convert_element_type3A_12 {offsets = [0, 3], sizes = [1024, 1], strides = [1, 1]} : vector<1024x32xf32> to vector<1024x1xf32>
    %slice3A_27 = vector.extract_strided_slice %dot_general3A_5 {offsets = [0, 384], sizes = [1024, 128], strides = [1, 1]} : vector<1024x3456xf32> to vector<1024x128xf32>
    %mul3A_28 = vector.broadcast %slice3A_26 : vector<1024x1xf32> to vector<1024x128xf32>
    %mul3A_29 = arith.mulf %mul3A_28, %slice3A_27 : vector<1024x128xf32>
    %add3A_30 = arith.addf %add3A_25, %mul3A_29 : vector<1024x128xf32>
    %slice3A_31 = vector.extract_strided_slice %convert_element_type3A_12 {offsets = [0, 4], sizes = [1024, 1], strides = [1, 1]} : vector<1024x32xf32> to vector<1024x1xf32>
    %slice3A_32 = vector.extract_strided_slice %dot_general3A_5 {offsets = [0, 512], sizes = [1024, 128], strides = [1, 1]} : vector<1024x3456xf32> to vector<1024x128xf32>
    %mul3A_33 = vector.broadcast %slice3A_31 : vector<1024x1xf32> to vector<1024x128xf32>
    %mul3A_34 = arith.mulf %mul3A_33, %slice3A_32 : vector<1024x128xf32>
    %add3A_35 = arith.addf %add3A_30, %mul3A_34 : vector<1024x128xf32>
    %slice3A_36 = vector.extract_strided_slice %convert_element_type3A_12 {offsets = [0, 5], sizes = [1024, 1], strides = [1, 1]} : vector<1024x32xf32> to vector<1024x1xf32>
    %slice3A_37 = vector.extract_strided_slice %dot_general3A_5 {offsets = [0, 640], sizes = [1024, 128], strides = [1, 1]} : vector<1024x3456xf32> to vector<1024x128xf32>
    %mul3A_38 = vector.broadcast %slice3A_36 : vector<1024x1xf32> to vector<1024x128xf32>
    %mul3A_39 = arith.mulf %mul3A_38, %slice3A_37 : vector<1024x128xf32>
    %add3A_40 = arith.addf %add3A_35, %mul3A_39 : vector<1024x128xf32>
    %slice3A_41 = vector.extract_strided_slice %convert_element_type3A_12 {offsets = [0, 6], sizes = [1024, 1], strides = [1, 1]} : vector<1024x32xf32> to vector<1024x1xf32>
    %slice3A_42 = vector.extract_strided_slice %dot_general3A_5 {offsets = [0, 768], sizes = [1024, 128], strides = [1, 1]} : vector<1024x3456xf32> to vector<1024x128xf32>
    %mul3A_43 = vector.broadcast %slice3A_41 : vector<1024x1xf32> to vector<1024x128xf32>
    %mul3A_44 = arith.mulf %mul3A_43, %slice3A_42 : vector<1024x128xf32>
    %add3A_45 = arith.addf %add3A_40, %mul3A_44 : vector<1024x128xf32>
    %slice3A_46 = vector.extract_strided_slice %convert_element_type3A_12 {offsets = [0, 7], sizes = [1024, 1], strides = [1, 1]} : vector<1024x32xf32> to vector<1024x1xf32>
    %slice3A_47 = vector.extract_strided_slice %dot_general3A_5 {offsets = [0, 896], sizes = [1024, 128], strides = [1, 1]} : vector<1024x3456xf32> to vector<1024x128xf32>
    %mul3A_48 = vector.broadcast %slice3A_46 : vector<1024x1xf32> to vector<1024x128xf32>
    %mul3A_49 = arith.mulf %mul3A_48, %slice3A_47 : vector<1024x128xf32>
    %add3A_50 = arith.addf %add3A_45, %mul3A_49 : vector<1024x128xf32>
    %slice3A_51 = vector.extract_strided_slice %convert_element_type3A_12 {offsets = [0, 8], sizes = [1024, 1], strides = [1, 1]} : vector<1024x32xf32> to vector<1024x1xf32>
    %slice3A_52 = vector.extract_strided_slice %dot_general3A_5 {offsets = [0, 1024], sizes = [1024, 128], strides = [1, 1]} : vector<1024x3456xf32> to vector<1024x128xf32>
    %mul3A_53 = vector.broadcast %slice3A_51 : vector<1024x1xf32> to vector<1024x128xf32>
    %mul3A_54 = arith.mulf %mul3A_53, %slice3A_52 : vector<1024x128xf32>
    %add3A_55 = arith.addf %add3A_50, %mul3A_54 : vector<1024x128xf32>
    %slice3A_56 = vector.extract_strided_slice %convert_element_type3A_12 {offsets = [0, 9], sizes = [1024, 1], strides = [1, 1]} : vector<1024x32xf32> to vector<1024x1xf32>
    %slice3A_57 = vector.extract_strided_slice %dot_general3A_5 {offsets = [0, 1152], sizes = [1024, 128], strides = [1, 1]} : vector<1024x3456xf32> to vector<1024x128xf32>
    %mul3A_58 = vector.broadcast %slice3A_56 : vector<1024x1xf32> to vector<1024x128xf32>
    %mul3A_59 = arith.mulf %mul3A_58, %slice3A_57 : vector<1024x128xf32>
    %add3A_60 = arith.addf %add3A_55, %mul3A_59 : vector<1024x128xf32>
    %slice3A_61 = vector.extract_strided_slice %convert_element_type3A_12 {offsets = [0, 10], sizes = [1024, 1], strides = [1, 1]} : vector<1024x32xf32> to vector<1024x1xf32>
    %slice3A_62 = vector.extract_strided_slice %dot_general3A_5 {offsets = [0, 1280], sizes = [1024, 128], strides = [1, 1]} : vector<1024x3456xf32> to vector<1024x128xf32>
    %mul3A_63 = vector.broadcast %slice3A_61 : vector<1024x1xf32> to vector<1024x128xf32>
    %mul3A_64 = arith.mulf %mul3A_63, %slice3A_62 : vector<1024x128xf32>
    %add3A_65 = arith.addf %add3A_60, %mul3A_64 : vector<1024x128xf32>
    %slice3A_66 = vector.extract_strided_slice %convert_element_type3A_12 {offsets = [0, 11], sizes = [1024, 1], strides = [1, 1]} : vector<1024x32xf32> to vector<1024x1xf32>
    %slice3A_67 = vector.extract_strided_slice %dot_general3A_5 {offsets = [0, 1408], sizes = [1024, 128], strides = [1, 1]} : vector<1024x3456xf32> to vector<1024x128xf32>
    %mul3A_68 = vector.broadcast %slice3A_66 : vector<1024x1xf32> to vector<1024x128xf32>
    %mul3A_69 = arith.mulf %mul3A_68, %slice3A_67 : vector<1024x128xf32>
    %add3A_70 = arith.addf %add3A_65, %mul3A_69 : vector<1024x128xf32>
    %slice3A_71 = vector.extract_strided_slice %convert_element_type3A_12 {offsets = [0, 12], sizes = [1024, 1], strides = [1, 1]} : vector<1024x32xf32> to vector<1024x1xf32>
    %slice3A_72 = vector.extract_strided_slice %dot_general3A_5 {offsets = [0, 1536], sizes = [1024, 128], strides = [1, 1]} : vector<1024x3456xf32> to vector<1024x128xf32>
    %mul3A_73 = vector.broadcast %slice3A_71 : vector<1024x1xf32> to vector<1024x128xf32>
    %mul3A_74 = arith.mulf %mul3A_73, %slice3A_72 : vector<1024x128xf32>
    %add3A_75 = arith.addf %add3A_70, %mul3A_74 : vector<1024x128xf32>
    %slice3A_76 = vector.extract_strided_slice %convert_element_type3A_12 {offsets = [0, 13], sizes = [1024, 1], strides = [1, 1]} : vector<1024x32xf32> to vector<1024x1xf32>
    %slice3A_77 = vector.extract_strided_slice %dot_general3A_5 {offsets = [0, 1664], sizes = [1024, 128], strides = [1, 1]} : vector<1024x3456xf32> to vector<1024x128xf32>
    %mul3A_78 = vector.broadcast %slice3A_76 : vector<1024x1xf32> to vector<1024x128xf32>
    %mul3A_79 = arith.mulf %mul3A_78, %slice3A_77 : vector<1024x128xf32>
    %add3A_80 = arith.addf %add3A_75, %mul3A_79 : vector<1024x128xf32>
    %slice3A_81 = vector.extract_strided_slice %convert_element_type3A_12 {offsets = [0, 14], sizes = [1024, 1], strides = [1, 1]} : vector<1024x32xf32> to vector<1024x1xf32>
    %slice3A_82 = vector.extract_strided_slice %dot_general3A_5 {offsets = [0, 1792], sizes = [1024, 128], strides = [1, 1]} : vector<1024x3456xf32> to vector<1024x128xf32>
    %mul3A_83 = vector.broadcast %slice3A_81 : vector<1024x1xf32> to vector<1024x128xf32>
    %mul3A_84 = arith.mulf %mul3A_83, %slice3A_82 : vector<1024x128xf32>
    %add3A_85 = arith.addf %add3A_80, %mul3A_84 : vector<1024x128xf32>
    %slice3A_86 = vector.extract_strided_slice %convert_element_type3A_12 {offsets = [0, 15], sizes = [1024, 1], strides = [1, 1]} : vector<1024x32xf32> to vector<1024x1xf32>
    %slice3A_87 = vector.extract_strided_slice %dot_general3A_5 {offsets = [0, 1920], sizes = [1024, 128], strides = [1, 1]} : vector<1024x3456xf32> to vector<1024x128xf32>
    %mul3A_88 = vector.broadcast %slice3A_86 : vector<1024x1xf32> to vector<1024x128xf32>
    %mul3A_89 = arith.mulf %mul3A_88, %slice3A_87 : vector<1024x128xf32>
    %add3A_90 = arith.addf %add3A_85, %mul3A_89 : vector<1024x128xf32>
    %slice3A_91 = vector.extract_strided_slice %convert_element_type3A_12 {offsets = [0, 16], sizes = [1024, 1], strides = [1, 1]} : vector<1024x32xf32> to vector<1024x1xf32>
    %slice3A_92 = vector.extract_strided_slice %dot_general3A_5 {offsets = [0, 2048], sizes = [1024, 128], strides = [1, 1]} : vector<1024x3456xf32> to vector<1024x128xf32>
    %mul3A_93 = vector.broadcast %slice3A_91 : vector<1024x1xf32> to vector<1024x128xf32>
    %mul3A_94 = arith.mulf %mul3A_93, %slice3A_92 : vector<1024x128xf32>
    %add3A_95 = arith.addf %add3A_90, %mul3A_94 : vector<1024x128xf32>
    %slice3A_96 = vector.extract_strided_slice %convert_element_type3A_12 {offsets = [0, 17], sizes = [1024, 1], strides = [1, 1]} : vector<1024x32xf32> to vector<1024x1xf32>
    %slice3A_97 = vector.extract_strided_slice %dot_general3A_5 {offsets = [0, 2176], sizes = [1024, 128], strides = [1, 1]} : vector<1024x3456xf32> to vector<1024x128xf32>
    %mul3A_98 = vector.broadcast %slice3A_96 : vector<1024x1xf32> to vector<1024x128xf32>
    %mul3A_99 = arith.mulf %mul3A_98, %slice3A_97 : vector<1024x128xf32>
    %add3A_100 = arith.addf %add3A_95, %mul3A_99 : vector<1024x128xf32>
    %slice3A_101 = vector.extract_strided_slice %convert_element_type3A_12 {offsets = [0, 18], sizes = [1024, 1], strides = [1, 1]} : vector<1024x32xf32> to vector<1024x1xf32>
    %slice3A_102 = vector.extract_strided_slice %dot_general3A_5 {offsets = [0, 2304], sizes = [1024, 128], strides = [1, 1]} : vector<1024x3456xf32> to vector<1024x128xf32>
    %mul3A_103 = vector.broadcast %slice3A_101 : vector<1024x1xf32> to vector<1024x128xf32>
    %mul3A_104 = arith.mulf %mul3A_103, %slice3A_102 : vector<1024x128xf32>
    %add3A_105 = arith.addf %add3A_100, %mul3A_104 : vector<1024x128xf32>
    %slice3A_106 = vector.extract_strided_slice %convert_element_type3A_12 {offsets = [0, 19], sizes = [1024, 1], strides = [1, 1]} : vector<1024x32xf32> to vector<1024x1xf32>
    %slice3A_107 = vector.extract_strided_slice %dot_general3A_5 {offsets = [0, 2432], sizes = [1024, 128], strides = [1, 1]} : vector<1024x3456xf32> to vector<1024x128xf32>
    %mul3A_108 = vector.broadcast %slice3A_106 : vector<1024x1xf32> to vector<1024x128xf32>
    %mul3A_109 = arith.mulf %mul3A_108, %slice3A_107 : vector<1024x128xf32>
    %add3A_110 = arith.addf %add3A_105, %mul3A_109 : vector<1024x128xf32>
    %slice3A_111 = vector.extract_strided_slice %convert_element_type3A_12 {offsets = [0, 20], sizes = [1024, 1], strides = [1, 1]} : vector<1024x32xf32> to vector<1024x1xf32>
    %slice3A_112 = vector.extract_strided_slice %dot_general3A_5 {offsets = [0, 2560], sizes = [1024, 128], strides = [1, 1]} : vector<1024x3456xf32> to vector<1024x128xf32>
    %mul3A_113 = vector.broadcast %slice3A_111 : vector<1024x1xf32> to vector<1024x128xf32>
    %mul3A_114 = arith.mulf %mul3A_113, %slice3A_112 : vector<1024x128xf32>
    %add3A_115 = arith.addf %add3A_110, %mul3A_114 : vector<1024x128xf32>
    %slice3A_116 = vector.extract_strided_slice %convert_element_type3A_12 {offsets = [0, 21], sizes = [1024, 1], strides = [1, 1]} : vector<1024x32xf32> to vector<1024x1xf32>
    %slice3A_117 = vector.extract_strided_slice %dot_general3A_5 {offsets = [0, 2688], sizes = [1024, 128], strides = [1, 1]} : vector<1024x3456xf32> to vector<1024x128xf32>
    %mul3A_118 = vector.broadcast %slice3A_116 : vector<1024x1xf32> to vector<1024x128xf32>
    %mul3A_119 = arith.mulf %mul3A_118, %slice3A_117 : vector<1024x128xf32>
    %add3A_120 = arith.addf %add3A_115, %mul3A_119 : vector<1024x128xf32>
    %slice3A_121 = vector.extract_strided_slice %convert_element_type3A_12 {offsets = [0, 22], sizes = [1024, 1], strides = [1, 1]} : vector<1024x32xf32> to vector<1024x1xf32>
    %slice3A_122 = vector.extract_strided_slice %dot_general3A_5 {offsets = [0, 2816], sizes = [1024, 128], strides = [1, 1]} : vector<1024x3456xf32> to vector<1024x128xf32>
    %mul3A_123 = vector.broadcast %slice3A_121 : vector<1024x1xf32> to vector<1024x128xf32>
    %mul3A_124 = arith.mulf %mul3A_123, %slice3A_122 : vector<1024x128xf32>
    %add3A_125 = arith.addf %add3A_120, %mul3A_124 : vector<1024x128xf32>
    %slice3A_126 = vector.extract_strided_slice %convert_element_type3A_12 {offsets = [0, 23], sizes = [1024, 1], strides = [1, 1]} : vector<1024x32xf32> to vector<1024x1xf32>
    %slice3A_127 = vector.extract_strided_slice %dot_general3A_5 {offsets = [0, 2944], sizes = [1024, 128], strides = [1, 1]} : vector<1024x3456xf32> to vector<1024x128xf32>
    %mul3A_128 = vector.broadcast %slice3A_126 : vector<1024x1xf32> to vector<1024x128xf32>
    %mul3A_129 = arith.mulf %mul3A_128, %slice3A_127 : vector<1024x128xf32>
    %add3A_130 = arith.addf %add3A_125, %mul3A_129 : vector<1024x128xf32>
    %slice3A_131 = vector.extract_strided_slice %convert_element_type3A_12 {offsets = [0, 24], sizes = [1024, 1], strides = [1, 1]} : vector<1024x32xf32> to vector<1024x1xf32>
    %slice3A_132 = vector.extract_strided_slice %dot_general3A_5 {offsets = [0, 3072], sizes = [1024, 128], strides = [1, 1]} : vector<1024x3456xf32> to vector<1024x128xf32>
    %mul3A_133 = vector.broadcast %slice3A_131 : vector<1024x1xf32> to vector<1024x128xf32>
    %mul3A_134 = arith.mulf %mul3A_133, %slice3A_132 : vector<1024x128xf32>
    %add3A_135 = arith.addf %add3A_130, %mul3A_134 : vector<1024x128xf32>
    %slice3A_136 = vector.extract_strided_slice %convert_element_type3A_12 {offsets = [0, 25], sizes = [1024, 1], strides = [1, 1]} : vector<1024x32xf32> to vector<1024x1xf32>
    %slice3A_137 = vector.extract_strided_slice %dot_general3A_5 {offsets = [0, 3200], sizes = [1024, 128], strides = [1, 1]} : vector<1024x3456xf32> to vector<1024x128xf32>
    %mul3A_138 = vector.broadcast %slice3A_136 : vector<1024x1xf32> to vector<1024x128xf32>
    %mul3A_139 = arith.mulf %mul3A_138, %slice3A_137 : vector<1024x128xf32>
    %add3A_140 = arith.addf %add3A_135, %mul3A_139 : vector<1024x128xf32>
    %slice3A_141 = vector.extract_strided_slice %convert_element_type3A_12 {offsets = [0, 26], sizes = [1024, 1], strides = [1, 1]} : vector<1024x32xf32> to vector<1024x1xf32>
    %slice3A_142 = vector.extract_strided_slice %dot_general3A_5 {offsets = [0, 3328], sizes = [1024, 128], strides = [1, 1]} : vector<1024x3456xf32> to vector<1024x128xf32>
    %mul3A_143 = vector.broadcast %slice3A_141 : vector<1024x1xf32> to vector<1024x128xf32>
    %mul3A_144 = arith.mulf %mul3A_143, %slice3A_142 : vector<1024x128xf32>
    %add3A_145 = arith.addf %add3A_140, %mul3A_144 : vector<1024x128xf32>
    %max3A = arith.constant 0.000000e+00 : f32
    %max3A_146 = vector.broadcast %max3A : f32 to vector<1024x128xf32>
    %max3A_147 = arith.maximumf %add3A_145, %max3A_146 : vector<1024x128xf32>
    %swap3A = arith.constant 0 : index
    %swap3A_148 = arith.constant 0 : index
    %swap3A_149 = vector.load %arg4[%swap3A, %swap3A_148] : memref<1024x128xf32, #tpu.memory_space<vmem>>, vector<1024x128xf32>
    tpu.vector_store %arg4[%swap3A, %swap3A_148], %max3A_147 {strides = array<i32>} : memref<1024x128xf32, #tpu.memory_space<vmem>>, vector<1024x128xf32>,
    return
  }
  func.func @transform_0(%arg0: i32) -> (i32, i32) {
    %add3A = arith.constant 0 : i32
    %add3A_0 = arith.addi %arg0, %add3A : i32
    %c0_i32 = arith.constant 0 : i32
    %c0_i32_1 = arith.constant 0 : i32
    return %add3A_0, %c0_i32 : i32, i32
  }
  func.func @transform_1(%arg0: i32) -> (i32, i32) {
    %c0_i32 = arith.constant 0 : i32
    %c0_i32_0 = arith.constant 0 : i32
    return %arg0, %c0_i32 : i32, i32
  }
  func.func @transform_2(%arg0: i32) -> (i32, i32) {
    %c0_i32 = arith.constant 0 : i32
    %c0_i32_0 = arith.constant 0 : i32
    %c0_i32_1 = arith.constant 0 : i32
    return %c0_i32, %c0_i32_0 : i32, i32
  }
  func.func @transform_3(%arg0: i32) -> (i32, i32) {
    %add3A = arith.constant 0 : i32
    %add3A_0 = arith.addi %arg0, %add3A : i32
    %c0_i32 = arith.constant 0 : i32
    %c0_i32_1 = arith.constant 0 : i32
    return %add3A_0, %c0_i32 : i32, i32
  }
}

module attributes {stable_mosaic.version = 14 : i64} {
  func.func @_tc_body_next(%arg0: i32, %arg1: memref<1024x128xf32, #tpu.memory_space<vmem>>, %arg2: memref<1024x32xf32, #tpu.memory_space<vmem>>, %arg3: memref<128x3456xbf16, #tpu.memory_space<vmem>>, %arg4: memref<100000x128xf32, #tpu.memory_space<any>>, %arg5: memref<1024x128xf32, #tpu.memory_space<vmem>>) attributes {dimension_semantics = [#tpu.dimension_semantics<arbitrary>], iteration_bounds = array<i64: 49>, scalar_prefetch = 0 : i64, scratch_operands = 0 : i64, tpu.core_type = #tpu.core_type<tc>, window_params = [{transform_indices = @transform_0, window_bounds = array<i64: 1024, 128>}, {transform_indices = @transform_1, window_bounds = array<i64: 1024, 32>}, {pipeline_mode = #tpu.pipeline_mode<synchronous>, transform_indices = @transform_2, window_bounds = array<i64: 128, 3456>}, {}, {transform_indices = @transform_4, window_bounds = array<i64: 1024, 128>}]} {
    %get3A = arith.constant 0 : index
    %get3A_0 = arith.constant 0 : index
    %get3A_1 = vector.load %arg1[%get3A, %get3A_0] : memref<1024x128xf32, #tpu.memory_space<vmem>>, vector<1024x128xf32>
    %convert_element_type3A = arith.truncf %get3A_1 : vector<1024x128xf32> to vector<1024x128xbf16>
    %get3A_2 = arith.constant 0 : index
    %get3A_3 = arith.constant 0 : index
    %get3A_4 = vector.load %arg3[%get3A_2, %get3A_3] : memref<128x3456xbf16, #tpu.memory_space<vmem>>, vector<128x3456xbf16>
    %dot_general3A = arith.constant dense<0.000000e+00> : vector<1024x3456xf32>
    %dot_general3A_5 = tpu.matmul %convert_element_type3A, %get3A_4, %dot_general3A {dimension_numbers = #tpu.dot_dimension_numbers<[1], [0], [0], [1], [0, 0, 1, 1], [], []>, transpose_lhs_hint = false} : vector<1024x128xbf16>, vector<128x3456xbf16>, vector<1024x3456xf32> -> vector<1024x3456xf32>
    %get3A_6 = arith.constant 0 : index
    %get3A_7 = arith.constant 0 : index
    %get3A_8 = vector.load %arg2[%get3A_6, %get3A_7] : memref<1024x32xf32, #tpu.memory_space<vmem>>, vector<1024x32xf32>
    %ne3A = arith.constant 0.000000e+00 : f32
    %ne3A_9 = vector.broadcast %ne3A : f32 to vector<1024x32xf32>
    %ne3A_10 = arith.cmpf one, %get3A_8, %ne3A_9 : vector<1024x32xf32>
    %convert_element_type3A_11 = arith.extui %ne3A_10 : vector<1024x32xi1> to vector<1024x32xi32>
    %convert_element_type3A_12 = arith.sitofp %convert_element_type3A_11 : vector<1024x32xi32> to vector<1024x32xf32>
    %broadcast_in_dim3A = arith.constant 0.000000e+00 : f32
    %broadcast_in_dim3A_13 = vector.broadcast %broadcast_in_dim3A : f32 to vector<1024x128xf32>
    %slice3A = vector.extract_strided_slice %convert_element_type3A_12 {offsets = [0, 0], sizes = [1024, 1], strides = [1, 1]} : vector<1024x32xf32> to vector<1024x1xf32>
    %slice3A_14 = vector.extract_strided_slice %dot_general3A_5 {offsets = [0, 0], sizes = [1024, 128], strides = [1, 1]} : vector<1024x3456xf32> to vector<1024x128xf32>
    %mul3A = vector.broadcast %slice3A : vector<1024x1xf32> to vector<1024x128xf32>
    %mul3A_15 = arith.mulf %mul3A, %slice3A_14 : vector<1024x128xf32>
    %add3A = arith.addf %broadcast_in_dim3A_13, %mul3A_15 : vector<1024x128xf32>
    %slice3A_16 = vector.extract_strided_slice %convert_element_type3A_12 {offsets = [0, 1], sizes = [1024, 1], strides = [1, 1]} : vector<1024x32xf32> to vector<1024x1xf32>
    %slice3A_17 = vector.extract_strided_slice %dot_general3A_5 {offsets = [0, 128], sizes = [1024, 128], strides = [1, 1]} : vector<1024x3456xf32> to vector<1024x128xf32>
    %mul3A_18 = vector.broadcast %slice3A_16 : vector<1024x1xf32> to vector<1024x128xf32>
    %mul3A_19 = arith.mulf %mul3A_18, %slice3A_17 : vector<1024x128xf32>
    %add3A_20 = arith.addf %add3A, %mul3A_19 : vector<1024x128xf32>
    %slice3A_21 = vector.extract_strided_slice %convert_element_type3A_12 {offsets = [0, 2], sizes = [1024, 1], strides = [1, 1]} : vector<1024x32xf32> to vector<1024x1xf32>
    %slice3A_22 = vector.extract_strided_slice %dot_general3A_5 {offsets = [0, 256], sizes = [1024, 128], strides = [1, 1]} : vector<1024x3456xf32> to vector<1024x128xf32>
    %mul3A_23 = vector.broadcast %slice3A_21 : vector<1024x1xf32> to vector<1024x128xf32>
    %mul3A_24 = arith.mulf %mul3A_23, %slice3A_22 : vector<1024x128xf32>
    %add3A_25 = arith.addf %add3A_20, %mul3A_24 : vector<1024x128xf32>
    %slice3A_26 = vector.extract_strided_slice %convert_element_type3A_12 {offsets = [0, 3], sizes = [1024, 1], strides = [1, 1]} : vector<1024x32xf32> to vector<1024x1xf32>
    %slice3A_27 = vector.extract_strided_slice %dot_general3A_5 {offsets = [0, 384], sizes = [1024, 128], strides = [1, 1]} : vector<1024x3456xf32> to vector<1024x128xf32>
    %mul3A_28 = vector.broadcast %slice3A_26 : vector<1024x1xf32> to vector<1024x128xf32>
    %mul3A_29 = arith.mulf %mul3A_28, %slice3A_27 : vector<1024x128xf32>
    %add3A_30 = arith.addf %add3A_25, %mul3A_29 : vector<1024x128xf32>
    %slice3A_31 = vector.extract_strided_slice %convert_element_type3A_12 {offsets = [0, 4], sizes = [1024, 1], strides = [1, 1]} : vector<1024x32xf32> to vector<1024x1xf32>
    %slice3A_32 = vector.extract_strided_slice %dot_general3A_5 {offsets = [0, 512], sizes = [1024, 128], strides = [1, 1]} : vector<1024x3456xf32> to vector<1024x128xf32>
    %mul3A_33 = vector.broadcast %slice3A_31 : vector<1024x1xf32> to vector<1024x128xf32>
    %mul3A_34 = arith.mulf %mul3A_33, %slice3A_32 : vector<1024x128xf32>
    %add3A_35 = arith.addf %add3A_30, %mul3A_34 : vector<1024x128xf32>
    %slice3A_36 = vector.extract_strided_slice %convert_element_type3A_12 {offsets = [0, 5], sizes = [1024, 1], strides = [1, 1]} : vector<1024x32xf32> to vector<1024x1xf32>
    %slice3A_37 = vector.extract_strided_slice %dot_general3A_5 {offsets = [0, 640], sizes = [1024, 128], strides = [1, 1]} : vector<1024x3456xf32> to vector<1024x128xf32>
    %mul3A_38 = vector.broadcast %slice3A_36 : vector<1024x1xf32> to vector<1024x128xf32>
    %mul3A_39 = arith.mulf %mul3A_38, %slice3A_37 : vector<1024x128xf32>
    %add3A_40 = arith.addf %add3A_35, %mul3A_39 : vector<1024x128xf32>
    %slice3A_41 = vector.extract_strided_slice %convert_element_type3A_12 {offsets = [0, 6], sizes = [1024, 1], strides = [1, 1]} : vector<1024x32xf32> to vector<1024x1xf32>
    %slice3A_42 = vector.extract_strided_slice %dot_general3A_5 {offsets = [0, 768], sizes = [1024, 128], strides = [1, 1]} : vector<1024x3456xf32> to vector<1024x128xf32>
    %mul3A_43 = vector.broadcast %slice3A_41 : vector<1024x1xf32> to vector<1024x128xf32>
    %mul3A_44 = arith.mulf %mul3A_43, %slice3A_42 : vector<1024x128xf32>
    %add3A_45 = arith.addf %add3A_40, %mul3A_44 : vector<1024x128xf32>
    %slice3A_46 = vector.extract_strided_slice %convert_element_type3A_12 {offsets = [0, 7], sizes = [1024, 1], strides = [1, 1]} : vector<1024x32xf32> to vector<1024x1xf32>
    %slice3A_47 = vector.extract_strided_slice %dot_general3A_5 {offsets = [0, 896], sizes = [1024, 128], strides = [1, 1]} : vector<1024x3456xf32> to vector<1024x128xf32>
    %mul3A_48 = vector.broadcast %slice3A_46 : vector<1024x1xf32> to vector<1024x128xf32>
    %mul3A_49 = arith.mulf %mul3A_48, %slice3A_47 : vector<1024x128xf32>
    %add3A_50 = arith.addf %add3A_45, %mul3A_49 : vector<1024x128xf32>
    %slice3A_51 = vector.extract_strided_slice %convert_element_type3A_12 {offsets = [0, 8], sizes = [1024, 1], strides = [1, 1]} : vector<1024x32xf32> to vector<1024x1xf32>
    %slice3A_52 = vector.extract_strided_slice %dot_general3A_5 {offsets = [0, 1024], sizes = [1024, 128], strides = [1, 1]} : vector<1024x3456xf32> to vector<1024x128xf32>
    %mul3A_53 = vector.broadcast %slice3A_51 : vector<1024x1xf32> to vector<1024x128xf32>
    %mul3A_54 = arith.mulf %mul3A_53, %slice3A_52 : vector<1024x128xf32>
    %add3A_55 = arith.addf %add3A_50, %mul3A_54 : vector<1024x128xf32>
    %slice3A_56 = vector.extract_strided_slice %convert_element_type3A_12 {offsets = [0, 9], sizes = [1024, 1], strides = [1, 1]} : vector<1024x32xf32> to vector<1024x1xf32>
    %slice3A_57 = vector.extract_strided_slice %dot_general3A_5 {offsets = [0, 1152], sizes = [1024, 128], strides = [1, 1]} : vector<1024x3456xf32> to vector<1024x128xf32>
    %mul3A_58 = vector.broadcast %slice3A_56 : vector<1024x1xf32> to vector<1024x128xf32>
    %mul3A_59 = arith.mulf %mul3A_58, %slice3A_57 : vector<1024x128xf32>
    %add3A_60 = arith.addf %add3A_55, %mul3A_59 : vector<1024x128xf32>
    %slice3A_61 = vector.extract_strided_slice %convert_element_type3A_12 {offsets = [0, 10], sizes = [1024, 1], strides = [1, 1]} : vector<1024x32xf32> to vector<1024x1xf32>
    %slice3A_62 = vector.extract_strided_slice %dot_general3A_5 {offsets = [0, 1280], sizes = [1024, 128], strides = [1, 1]} : vector<1024x3456xf32> to vector<1024x128xf32>
    %mul3A_63 = vector.broadcast %slice3A_61 : vector<1024x1xf32> to vector<1024x128xf32>
    %mul3A_64 = arith.mulf %mul3A_63, %slice3A_62 : vector<1024x128xf32>
    %add3A_65 = arith.addf %add3A_60, %mul3A_64 : vector<1024x128xf32>
    %slice3A_66 = vector.extract_strided_slice %convert_element_type3A_12 {offsets = [0, 11], sizes = [1024, 1], strides = [1, 1]} : vector<1024x32xf32> to vector<1024x1xf32>
    %slice3A_67 = vector.extract_strided_slice %dot_general3A_5 {offsets = [0, 1408], sizes = [1024, 128], strides = [1, 1]} : vector<1024x3456xf32> to vector<1024x128xf32>
    %mul3A_68 = vector.broadcast %slice3A_66 : vector<1024x1xf32> to vector<1024x128xf32>
    %mul3A_69 = arith.mulf %mul3A_68, %slice3A_67 : vector<1024x128xf32>
    %add3A_70 = arith.addf %add3A_65, %mul3A_69 : vector<1024x128xf32>
    %slice3A_71 = vector.extract_strided_slice %convert_element_type3A_12 {offsets = [0, 12], sizes = [1024, 1], strides = [1, 1]} : vector<1024x32xf32> to vector<1024x1xf32>
    %slice3A_72 = vector.extract_strided_slice %dot_general3A_5 {offsets = [0, 1536], sizes = [1024, 128], strides = [1, 1]} : vector<1024x3456xf32> to vector<1024x128xf32>
    %mul3A_73 = vector.broadcast %slice3A_71 : vector<1024x1xf32> to vector<1024x128xf32>
    %mul3A_74 = arith.mulf %mul3A_73, %slice3A_72 : vector<1024x128xf32>
    %add3A_75 = arith.addf %add3A_70, %mul3A_74 : vector<1024x128xf32>
    %slice3A_76 = vector.extract_strided_slice %convert_element_type3A_12 {offsets = [0, 13], sizes = [1024, 1], strides = [1, 1]} : vector<1024x32xf32> to vector<1024x1xf32>
    %slice3A_77 = vector.extract_strided_slice %dot_general3A_5 {offsets = [0, 1664], sizes = [1024, 128], strides = [1, 1]} : vector<1024x3456xf32> to vector<1024x128xf32>
    %mul3A_78 = vector.broadcast %slice3A_76 : vector<1024x1xf32> to vector<1024x128xf32>
    %mul3A_79 = arith.mulf %mul3A_78, %slice3A_77 : vector<1024x128xf32>
    %add3A_80 = arith.addf %add3A_75, %mul3A_79 : vector<1024x128xf32>
    %slice3A_81 = vector.extract_strided_slice %convert_element_type3A_12 {offsets = [0, 14], sizes = [1024, 1], strides = [1, 1]} : vector<1024x32xf32> to vector<1024x1xf32>
    %slice3A_82 = vector.extract_strided_slice %dot_general3A_5 {offsets = [0, 1792], sizes = [1024, 128], strides = [1, 1]} : vector<1024x3456xf32> to vector<1024x128xf32>
    %mul3A_83 = vector.broadcast %slice3A_81 : vector<1024x1xf32> to vector<1024x128xf32>
    %mul3A_84 = arith.mulf %mul3A_83, %slice3A_82 : vector<1024x128xf32>
    %add3A_85 = arith.addf %add3A_80, %mul3A_84 : vector<1024x128xf32>
    %slice3A_86 = vector.extract_strided_slice %convert_element_type3A_12 {offsets = [0, 15], sizes = [1024, 1], strides = [1, 1]} : vector<1024x32xf32> to vector<1024x1xf32>
    %slice3A_87 = vector.extract_strided_slice %dot_general3A_5 {offsets = [0, 1920], sizes = [1024, 128], strides = [1, 1]} : vector<1024x3456xf32> to vector<1024x128xf32>
    %mul3A_88 = vector.broadcast %slice3A_86 : vector<1024x1xf32> to vector<1024x128xf32>
    %mul3A_89 = arith.mulf %mul3A_88, %slice3A_87 : vector<1024x128xf32>
    %add3A_90 = arith.addf %add3A_85, %mul3A_89 : vector<1024x128xf32>
    %slice3A_91 = vector.extract_strided_slice %convert_element_type3A_12 {offsets = [0, 16], sizes = [1024, 1], strides = [1, 1]} : vector<1024x32xf32> to vector<1024x1xf32>
    %slice3A_92 = vector.extract_strided_slice %dot_general3A_5 {offsets = [0, 2048], sizes = [1024, 128], strides = [1, 1]} : vector<1024x3456xf32> to vector<1024x128xf32>
    %mul3A_93 = vector.broadcast %slice3A_91 : vector<1024x1xf32> to vector<1024x128xf32>
    %mul3A_94 = arith.mulf %mul3A_93, %slice3A_92 : vector<1024x128xf32>
    %add3A_95 = arith.addf %add3A_90, %mul3A_94 : vector<1024x128xf32>
    %slice3A_96 = vector.extract_strided_slice %convert_element_type3A_12 {offsets = [0, 17], sizes = [1024, 1], strides = [1, 1]} : vector<1024x32xf32> to vector<1024x1xf32>
    %slice3A_97 = vector.extract_strided_slice %dot_general3A_5 {offsets = [0, 2176], sizes = [1024, 128], strides = [1, 1]} : vector<1024x3456xf32> to vector<1024x128xf32>
    %mul3A_98 = vector.broadcast %slice3A_96 : vector<1024x1xf32> to vector<1024x128xf32>
    %mul3A_99 = arith.mulf %mul3A_98, %slice3A_97 : vector<1024x128xf32>
    %add3A_100 = arith.addf %add3A_95, %mul3A_99 : vector<1024x128xf32>
    %slice3A_101 = vector.extract_strided_slice %convert_element_type3A_12 {offsets = [0, 18], sizes = [1024, 1], strides = [1, 1]} : vector<1024x32xf32> to vector<1024x1xf32>
    %slice3A_102 = vector.extract_strided_slice %dot_general3A_5 {offsets = [0, 2304], sizes = [1024, 128], strides = [1, 1]} : vector<1024x3456xf32> to vector<1024x128xf32>
    %mul3A_103 = vector.broadcast %slice3A_101 : vector<1024x1xf32> to vector<1024x128xf32>
    %mul3A_104 = arith.mulf %mul3A_103, %slice3A_102 : vector<1024x128xf32>
    %add3A_105 = arith.addf %add3A_100, %mul3A_104 : vector<1024x128xf32>
    %slice3A_106 = vector.extract_strided_slice %convert_element_type3A_12 {offsets = [0, 19], sizes = [1024, 1], strides = [1, 1]} : vector<1024x32xf32> to vector<1024x1xf32>
    %slice3A_107 = vector.extract_strided_slice %dot_general3A_5 {offsets = [0, 2432], sizes = [1024, 128], strides = [1, 1]} : vector<1024x3456xf32> to vector<1024x128xf32>
    %mul3A_108 = vector.broadcast %slice3A_106 : vector<1024x1xf32> to vector<1024x128xf32>
    %mul3A_109 = arith.mulf %mul3A_108, %slice3A_107 : vector<1024x128xf32>
    %add3A_110 = arith.addf %add3A_105, %mul3A_109 : vector<1024x128xf32>
    %slice3A_111 = vector.extract_strided_slice %convert_element_type3A_12 {offsets = [0, 20], sizes = [1024, 1], strides = [1, 1]} : vector<1024x32xf32> to vector<1024x1xf32>
    %slice3A_112 = vector.extract_strided_slice %dot_general3A_5 {offsets = [0, 2560], sizes = [1024, 128], strides = [1, 1]} : vector<1024x3456xf32> to vector<1024x128xf32>
    %mul3A_113 = vector.broadcast %slice3A_111 : vector<1024x1xf32> to vector<1024x128xf32>
    %mul3A_114 = arith.mulf %mul3A_113, %slice3A_112 : vector<1024x128xf32>
    %add3A_115 = arith.addf %add3A_110, %mul3A_114 : vector<1024x128xf32>
    %slice3A_116 = vector.extract_strided_slice %convert_element_type3A_12 {offsets = [0, 21], sizes = [1024, 1], strides = [1, 1]} : vector<1024x32xf32> to vector<1024x1xf32>
    %slice3A_117 = vector.extract_strided_slice %dot_general3A_5 {offsets = [0, 2688], sizes = [1024, 128], strides = [1, 1]} : vector<1024x3456xf32> to vector<1024x128xf32>
    %mul3A_118 = vector.broadcast %slice3A_116 : vector<1024x1xf32> to vector<1024x128xf32>
    %mul3A_119 = arith.mulf %mul3A_118, %slice3A_117 : vector<1024x128xf32>
    %add3A_120 = arith.addf %add3A_115, %mul3A_119 : vector<1024x128xf32>
    %slice3A_121 = vector.extract_strided_slice %convert_element_type3A_12 {offsets = [0, 22], sizes = [1024, 1], strides = [1, 1]} : vector<1024x32xf32> to vector<1024x1xf32>
    %slice3A_122 = vector.extract_strided_slice %dot_general3A_5 {offsets = [0, 2816], sizes = [1024, 128], strides = [1, 1]} : vector<1024x3456xf32> to vector<1024x128xf32>
    %mul3A_123 = vector.broadcast %slice3A_121 : vector<1024x1xf32> to vector<1024x128xf32>
    %mul3A_124 = arith.mulf %mul3A_123, %slice3A_122 : vector<1024x128xf32>
    %add3A_125 = arith.addf %add3A_120, %mul3A_124 : vector<1024x128xf32>
    %slice3A_126 = vector.extract_strided_slice %convert_element_type3A_12 {offsets = [0, 23], sizes = [1024, 1], strides = [1, 1]} : vector<1024x32xf32> to vector<1024x1xf32>
    %slice3A_127 = vector.extract_strided_slice %dot_general3A_5 {offsets = [0, 2944], sizes = [1024, 128], strides = [1, 1]} : vector<1024x3456xf32> to vector<1024x128xf32>
    %mul3A_128 = vector.broadcast %slice3A_126 : vector<1024x1xf32> to vector<1024x128xf32>
    %mul3A_129 = arith.mulf %mul3A_128, %slice3A_127 : vector<1024x128xf32>
    %add3A_130 = arith.addf %add3A_125, %mul3A_129 : vector<1024x128xf32>
    %slice3A_131 = vector.extract_strided_slice %convert_element_type3A_12 {offsets = [0, 24], sizes = [1024, 1], strides = [1, 1]} : vector<1024x32xf32> to vector<1024x1xf32>
    %slice3A_132 = vector.extract_strided_slice %dot_general3A_5 {offsets = [0, 3072], sizes = [1024, 128], strides = [1, 1]} : vector<1024x3456xf32> to vector<1024x128xf32>
    %mul3A_133 = vector.broadcast %slice3A_131 : vector<1024x1xf32> to vector<1024x128xf32>
    %mul3A_134 = arith.mulf %mul3A_133, %slice3A_132 : vector<1024x128xf32>
    %add3A_135 = arith.addf %add3A_130, %mul3A_134 : vector<1024x128xf32>
    %slice3A_136 = vector.extract_strided_slice %convert_element_type3A_12 {offsets = [0, 25], sizes = [1024, 1], strides = [1, 1]} : vector<1024x32xf32> to vector<1024x1xf32>
    %slice3A_137 = vector.extract_strided_slice %dot_general3A_5 {offsets = [0, 3200], sizes = [1024, 128], strides = [1, 1]} : vector<1024x3456xf32> to vector<1024x128xf32>
    %mul3A_138 = vector.broadcast %slice3A_136 : vector<1024x1xf32> to vector<1024x128xf32>
    %mul3A_139 = arith.mulf %mul3A_138, %slice3A_137 : vector<1024x128xf32>
    %add3A_140 = arith.addf %add3A_135, %mul3A_139 : vector<1024x128xf32>
    %slice3A_141 = vector.extract_strided_slice %convert_element_type3A_12 {offsets = [0, 26], sizes = [1024, 1], strides = [1, 1]} : vector<1024x32xf32> to vector<1024x1xf32>
    %slice3A_142 = vector.extract_strided_slice %dot_general3A_5 {offsets = [0, 3328], sizes = [1024, 128], strides = [1, 1]} : vector<1024x3456xf32> to vector<1024x128xf32>
    %mul3A_143 = vector.broadcast %slice3A_141 : vector<1024x1xf32> to vector<1024x128xf32>
    %mul3A_144 = arith.mulf %mul3A_143, %slice3A_142 : vector<1024x128xf32>
    %add3A_145 = arith.addf %add3A_140, %mul3A_144 : vector<1024x128xf32>
    %max3A = arith.constant 0.000000e+00 : f32
    %max3A_146 = vector.broadcast %max3A : f32 to vector<1024x128xf32>
    %max3A_147 = arith.maximumf %add3A_145, %max3A_146 : vector<1024x128xf32>
    %swap3A = arith.constant 0 : index
    %swap3A_148 = arith.constant 0 : index
    %swap3A_149 = vector.load %arg5[%swap3A, %swap3A_148] : memref<1024x128xf32, #tpu.memory_space<vmem>>, vector<1024x128xf32>
    tpu.vector_store %arg5[%swap3A, %swap3A_148], %max3A_147 {strides = array<i32>} : memref<1024x128xf32, #tpu.memory_space<vmem>>, vector<1024x128xf32>,
    return
  }
  func.func @transform_0(%arg0: i32) -> (i32, i32) {
    %add3A = arith.constant 49 : i32
    %add3A_0 = arith.addi %arg0, %add3A : i32
    %c0_i32 = arith.constant 0 : i32
    %c0_i32_1 = arith.constant 0 : i32
    return %add3A_0, %c0_i32 : i32, i32
  }
  func.func @transform_1(%arg0: i32) -> (i32, i32) {
    %c0_i32 = arith.constant 0 : i32
    %c0_i32_0 = arith.constant 0 : i32
    return %arg0, %c0_i32 : i32, i32
  }
  func.func @transform_2(%arg0: i32) -> (i32, i32) {
    %c0_i32 = arith.constant 0 : i32
    %c0_i32_0 = arith.constant 0 : i32
    %c0_i32_1 = arith.constant 0 : i32
    return %c0_i32, %c0_i32_0 : i32, i32
  }
  func.func @transform_4(%arg0: i32) -> (i32, i32) {
    %add3A = arith.constant 49 : i32
    %add3A_0 = arith.addi %arg0, %add3A : i32
    %c0_i32 = arith.constant 0 : i32
    %c0_i32_1 = arith.constant 0 : i32
    return %add3A_0, %c0_i32 : i32, i32
  }
}

</mosaic_0001>

<sc_bundles>
// kernel: kernel.11.cloned.1.call-start
scs
__scs_entry_jumppad:
0x0: {  	(pc) =	sbr.rel $0x88, $3  }
0x1: {  	(tag) =	ssettag $0x0;
	lr =	simm.s32 $0x1  }
0x2: {  	[smem:$0x3F9D] =	sst lr;
	_ =	strace $0xD0000000  }
0x3: {  	_ = 	snop  }
0x4: {  	_ = 	snop  }
0x5: {  	_ = 	snop  }
0x6: {  	_ = 	snop  }
0x7: {  	_ = 	snop  }
__scs_overlays_trampoline_lowered:
0x8: {  	[smem:$0x3FAC] =	sst s0  }
0x9: {  	[smem:$0x3FAD] =	sst s1  }
0xa: {  	[smem:$0x3FAE] =	sst s2  }
0xb: {  	[smem:$0x3FAF] =	sst s3  }
0xc: {  	[smem:$0x3FB0] =	sst s4  }
0xd: {  	[smem:$0x3FB1] =	sst s5  }
0xe: {  	[smem:$0x3FB2] =	sst s6  }
0xf: {  	[smem:$0x3FB3] =	sst s7  }
0x10: {  	[smem:$0x3FB4] =	sst s8  }
0x11: {  	[smem:$0x3FB5] =	sst s9;
	s0 =	simm.s32 @!p0 $0x0  }
0x12: {  	s1 =	sld [smem:$0x3F9B];
	s0 =	simm.s32 @p0 $0x1  }
0x13: {  	[smem:$0x3FB6] =	sst s0;
	s0 =	simm.s32 @!p1 $0x0  }
0x14: {  	s2 =	sld [smem:$0x3F9A];
	s0 =	simm.s32 @p1 $0x1  }
0x15: {  	[smem:$0x3FB7] =	sst s0;
	s0 =	simm.s32 @!p2 $0x0  }
0x16: {  	s3 =	sld [smem:$0x3FDB];
	s0 =	simm.s32 @p2 $0x1  }
0x17: {  	s4 =	simm.s32 $0x1BF5;
	[smem:$0x3FB9] =	sst s0  }
0x18: {  	s0 =	sld [smem:$0x3F9C];
	_ =	swait.ge [sflag:s4], $0x0  }
0x19: {  	s7 =	sld [smem:$0x3F9D]  }
0x1a: {  	s8 =	sadd.s32 $0xFFFFE003, lr  }
0x1b: {  	s9 =	sadd.s32 $0xFFFFFEF7, lr;
	s5 =	simm.s32 $0xFFFFFFFF;
	p2 =	slt.u32 s8, $0xFFFFF086  }
0x1c: {  	p1 =	slt.u32 s9, $0xF7A;
	s5 =	simm.s32 @!p2 $0x0  }
0x1d: {  	s5 =	simm.s32 @p1 $0x1;
	p0 =	seq.s32 s7, s2  }
0x1e: {  	s7 =	smul.u32 @!p0 $0xF7A, s2;
	p2 =	seq.s32 @!p0 s5, $0x0  }
0x1f: {  	s9 =	smul.u32 $0xF7A, s1;
	s8 =	simm.s32 @!p0 $0x1BF5;
	p2 =	por !p2, p0  }
0x20: {  	[sflag:s8] =	ssyncset.s32 @!p0 $0xFFFFF086;
	s6 =	sadd.s32 @!p0 s3, s7;
	s7 =	simm.s32 @!p0 $0x108  }
0x21: {  	s3 =	sadd.s32 s3, s9;
	s6 =	sadd.s32 @!p0 $0x88, s6;
	s7 =	simm.s32 @p2 $0x1082  }
0x22: {  	[simem:s7], [sflag:s8] =	dma.local @!p0 [hbm:s6], $0xF7A  }
0x23: {  	s9 =	sor.u32 $0xD0000000, s2;
	s6 =	simm.s32 $0x108;
	_ =	swait.ge @!p0 [sflag:s8], $0x0  }
0x24: {  	s3 =	sadd.s32 $0x88, s3;
	s6 =	simm.s32 @!p1 $0x1082;
	[sflag:s4] =	ssyncset.s32 $0xFFFFF086  }
0x25: {  	[simem:s6], [sflag:s4] =	dma.local [hbm:s3], $0xF7A  }
0x26: {  	[smem:$0x3F9D] =	sst s1;
	(tag) =	ssettag s2;
	_ =	strace s9  }
0x27: {  	s1 =	sld [smem:$0x3FAD]  }
0x28: {  	s2 =	sld [smem:$0x3FAE]  }
0x29: {  	s4 =	sld [smem:$0x3FB0]  }
0x2a: {  	p0 =	seq.s32 s5, $0x0;
	s5 =	sld [smem:$0x3FB1]  }
0x2b: {  	s6 =	sld [smem:$0x3FB2]  }
0x2c: {  	s7 =	sld [smem:$0x3FB3]  }
0x2d: {  	s3 =	simm.s32 $0x108;
	s8 =	sld [smem:$0x3FB4]  }
0x2e: {  	s3 =	simm.s32 @!p0 $0x1082;
	s9 =	sld [smem:$0x3FB5]  }
0x2f: {  	lr =	sadd.s32 s0, s3;
	s0 =	sld [smem:$0x3FAC]  }
0x30: {  	s3 =	sld [smem:$0x3FAF]  }
0x31: {  	[smem:$0x3FB8] =	sst s10  }
0x32: {  	s10 =	sld [smem:$0x3FB6];
	_ =	sdelay $0x3  }
0x33: {  	p0 =	seq.s32 s10, $0x1;
	s10 =	sld [smem:$0x3FB8];
	_ =	sdelay $0x3  }
0x34: {  	[smem:$0x3FB8] =	sst s10  }
0x35: {  	s10 =	sld [smem:$0x3FB7];
	_ =	sdelay $0x3  }
0x36: {  	p1 =	seq.s32 s10, $0x1;
	s10 =	sld [smem:$0x3FB8];
	_ =	sdelay $0x3  }
0x37: {  	[smem:$0x3FB8] =	sst s10  }
0x38: {  	s10 =	sld [smem:$0x3FB9]  }
0x39: {  	_ = 	snop;
	(pc) =	sbr.ind lr, $3  }
0x3a: {  	_ = 	snop  }
0x3b: {  	_ = 	snop  }
0x3c: {  	p2 =	seq.s32 s10, $0x1;
	s10 =	sld [smem:$0x3FB8]  }
0x3d: {  	_ =	shalt  }
0x3e: {  	_ =	shalt  }
0x3f: {  	_ =	shalt  }
0x40: {  	_ =	shalt  }
0x41: {  	_ =	shalt  }
0x42: {  	_ =	shalt  }
0x43: {  	_ =	shalt  }
0x44: {  	_ =	shalt  }
0x45: {  	_ =	shalt  }
0x46: {  	_ =	shalt  }
0x47: {  	_ =	shalt  }
0x48: {  	_ =	shalt  }
0x49: {  	_ =	shalt  }
0x4a: {  	_ =	shalt  }
0x4b: {  	_ =	shalt  }
0x4c: {  	_ =	shalt  }
0x4d: {  	_ =	shalt  }
0x4e: {  	_ =	shalt  }
0x4f: {  	_ =	shalt  }
0x50: {  	_ =	shalt  }
0x51: {  	_ =	shalt  }
0x52: {  	_ =	shalt  }
0x53: {  	_ =	shalt  }
0x54: {  	_ =	shalt  }
0x55: {  	_ =	shalt  }
0x56: {  	_ =	shalt  }
0x57: {  	_ =	shalt  }
0x58: {  	_ =	shalt  }
0x59: {  	_ =	shalt  }
0x5a: {  	_ =	shalt  }
0x5b: {  	_ =	shalt  }
0x5c: {  	_ =	shalt  }
0x5d: {  	_ =	shalt  }
0x5e: {  	_ =	shalt  }
0x5f: {  	_ =	shalt  }
0x60: {  	_ =	shalt  }
0x61: {  	_ =	shalt  }
0x62: {  	_ =	shalt  }
0x63: {  	_ =	shalt  }
0x64: {  	_ =	shalt  }
0x65: {  	_ =	shalt  }
0x66: {  	_ =	shalt  }
0x67: {  	_ =	shalt  }
0x68: {  	_ =	shalt  }
0x69: {  	_ =	shalt  }
0x6a: {  	_ =	shalt  }
0x6b: {  	_ =	shalt  }
0x6c: {  	_ =	shalt  }
0x6d: {  	_ =	shalt  }
0x6e: {  	_ =	shalt  }
0x6f: {  	_ =	shalt  }
0x70: {  	_ =	shalt  }
0x71: {  	_ =	shalt  }
0x72: {  	_ =	shalt  }
0x73: {  	_ =	shalt  }
0x74: {  	_ =	shalt  }
0x75: {  	_ =	shalt  }
0x76: {  	_ =	shalt  }
0x77: {  	_ =	shalt  }
0x78: {  	_ =	shalt  }
0x79: {  	_ =	shalt  }
0x7a: {  	_ =	shalt  }
0x7b: {  	_ =	shalt  }
0x7c: {  	_ =	shalt  }
0x7d: {  	_ =	shalt  }
0x7e: {  	_ =	shalt  }
0x7f: {  	_ =	shalt  }
0x80: {  	_ =	shalt  }
0x81: {  	_ =	shalt  }
0x82: {  	_ =	shalt  }
0x83: {  	_ =	shalt  }
0x84: {  	_ =	shalt  }
0x85: {  	_ =	shalt  }
0x86: {  	_ =	shalt  }
0x87: {  	_ =	shalt  }
.Lfunc_end0:
.L_simem_size_0:
called_computation.1_lowered:
.L_overlay_start_0:
0x88: {  	s2 =	sld [smem:$0x3FD9]  }
0x89: {  	s3 =	sld [smem:$0x3FFE];
	_ =	sdelay $0x1  }
0x8a: {  	s1 =	srdreg.scid  }
0x8b: {  	s0 =	sand.u32 $0x1, s1  }
0x8c: {  	s17 =	sshll.u32 s0, $0xA;
	s2 =	sadd.s32 s3, s2  }
0x8d: {  	s2 =	sadd.s32 s2, s17  }
0x8e: {  	[smem:$0x3FC4] =	sst s2  }
0x8f: {  	_ = 	snop  }
0x90: {  	(tm) =	ssettm $0x1  }
0x91: {  	s18 =	sld [smem:$0x3FFB];
	_ =	sdelay $0x3  }
0x92: {  	_ =	strace s18  }
0x93: {  	s2 =	sld [smem:$0x3FFC];
	_ =	sdelay $0x3  }
0x94: {  	_ =	strace s2  }
0x95: {  	s2 =	sld [smem:$0x3FFD];
	_ =	sdelay $0x3  }
0x96: {  	_ =	strace s2  }
0x97: {  	_ =	strace $0x8FFFFFFF  }
0x98: {  	s19 =	sld [smem:$0x3FDB];
	_ =	sdelay $0x1  }
0x99: {  	s20 =	simm.s32 $_scs_section_size  }
0x9a: {  	s4 =	simm.s32 $_size__tile_overlayer_lowered;
	s5 =	simm.s32 $_tile_overlayer_lowered  }
0x9b: {  	s6 =	simm.s32 $0x1BFF;
	s21 =	sshll.u32 s5, $0x1;
	s3 =	sadd.s32 s20, s19  }
0x9c: {  	s22 =	simm.s32 $0x0;
	s4 =	sshll.u32 s4, $0x1;
	s5 =	sadd.s32 s21, s3  }
0x9d: {  	[timem:s22], [sflag:s6] =	dma.local [hbm:s5], s4  }
0x9e: {  	_ =	swait.ge [sflag:s6], s4  }
0x9f: {  	s4 =	ssub.s32 $0x0, s4;
	[sflag:s6] =	ssyncset.done $0x0  }
0xa0: {  	[sflag:s6] =	ssyncadd.s32 s4;
	_ =	sdelay $0x1  }
0xa1: {  	s23 =	simm.s32 $0x1B8B  }
0xa2: {  	_ =	swait.ge [sflag:s23], $0x1  }
0xa3: {  	[sflag:s23] =	ssyncset.done $0x0  }
0xa4: {  	[sflag:s23] =	ssyncadd.s32 $0xFFFFFFFF  }
0xa5: {  	s4 =	sld [smem:$0x0]  }
0xa6: {  	s5 =	sand.u32 $0xFFFFFFFE, s1  }
0xa7: {  	p0 =	sne.s32 s1, s5  }
0xa8: {  	s5 =	sshll.u32 @p0 s5, $0xE  }
0xa9: {  	s5 =	sadd.s32 @p0 $0x11B8D, s5;
	s6 =	sshll.u32 @p0 s4, $0x11  }
0xaa: {  	s5 =	sor.u32 @p0 s6, s5  }
0xab: {  	[sflag:s5] =	ssyncadd.remote.s32 @p0 $0x1;
	_ =	sdelay $0x1  }
0xac: {  	s5 =	simm.s32 @p0 $0x1B8D  }
0xad: {  	_ =	swait.eq @p0 [sflag:s5], $0x1  }
0xae: {  	[sflag:s5] =	ssyncadd.s32 @p0 $0xFFFFFFFF  }
0xaf: {  	s6 =	sshll.u32 @!p0 s1, $0xE  }
0xb0: {  	s6 =	sor.u32 @!p0 $0x4000, s6;
	s5 =	simm.s32 @!p0 $0x1B8D  }
0xb1: {  	s4 =	sshll.u32 @!p0 s4, $0x11;
	s6 =	sadd.s32 @!p0 $0x11B8D, s6;
	_ =	swait.eq @!p0 [sflag:s5], $0x1  }
0xb2: {  	s4 =	sor.u32 @!p0 s4, s6;
	[sflag:s5] =	ssyncadd.s32 @!p0 $0xFFFFFFFF  }
0xb3: {  	s25 =	simm.s32 $0x1B8E;
	s24 =	sld [smem:$0x3FFE];
	[sflag:s4] =	ssyncadd.remote.s32 @!p0 $0x1  }
0xb4: {  	s26 =	simm.s32 $execute0_lowered;
	[smem:$0x3FD2] =	sst s25  }
0xb5: {  	s5 =	sshll.u32 s26, $0x1;
	_ =	strace $0x80000049;
	[dreg:$0x1] =	wrdreg $0xFFFFFFFF  }
0xb6: {  	s28 =	simm.s32 $_size_execute0_lowered;
	s3 =	sadd.s32 s3, s5;
	[dreg:$0x0] =	wrdreg $0x0  }
0xb7: {  	s5 =	sshll.u32 s28, $0x1;
	[dreg:$0x2] =	wrdreg s3  }
0xb8: {  	[dreg:$0x3] =	wrdreg s5  }
0xb9: {  	[dreg:$0x4] =	wrdreg $0xC0  }
0xba: {  	_ =	task [dreg:s22], $0x5FFFF  }
0xbb: {  	[dreg:$0x1] =	wrdreg $0xFFFFFFFF  }
0xbc: {  	[dreg:$0x0] =	wrdreg $0x60  }
0xbd: {  	[dreg:$0x2] =	wrdreg s24  }
0xbe: {  	[dreg:$0x3] =	wrdreg $0xA  }
0xbf: {  	_ =	task.clear_ibuf [dreg:s22], $0x4FFFF;
	_ =	strace $0x90000049  }
0xc0: {  	s29 =	simm.s32 $0xA;
	_ =	strace $0x8000004B  }
0xc1: {  	_ =	swait.ge [sflag:s29], $0x1  }
0xc2: {  	[sflag:s29] =	ssyncadd.s32 $0xFFFFFFFF  }
0xc3: {  	_ =	strace $0x9000004B  }
0xc4: {  	_ =	sfence  }
0xc5: {  	s30 =	sld [smem:$0x0];
	_ =	sdelay $0x2  }
0xc6: {  	s31 =	sshll.u32 s1, $0xD;
	s1 =	sshrl.u32 s1, $0x2  }
0xc7: {  	s4 =	sand.u32 $0x4000, s31;
	s1 =	sadd.s32 s1, s30  }
0xc8: {  	s0 =	sor.u32 s4, s0;
	s1 =	sshll.u32 s1, $0x11  }
0xc9: {  	s0 =	sor.u32 s1, s0  }
0xca: {  	s0 =	sadd.s32 $0x8F2B, s0  }
0xcb: {  	[sflag:s0] =	ssyncadd.remote.s32 $0x1  }
0xcc: {  	_ =	sfence.sel $0xFFFF  }
0xcd: {  	[dreg:$0x0] =	wrdreg $0xFFFFFFFF;
	(pc) =	sbr.abs _section_cstart, $3  }
0xce: {  	[dreg:$0x1] =	wrdreg $0xFFFFFFFF  }
0xcf: {  	_ =	task.clear_ibuf [dreg:s22], $0x2FFFF;
	_ =	strace $0x9FFFFFFF  }
0xd0: {  	(tm) =	ssettm $0x7FFFFFFF  }
0xd1: {  	_ =	shalt  }
tec
execute0_lowered:
.L_overlay_start_1:
0x0: {  	(tag) =	ssettag $0x1  }
0x1: {  	s1 =	srdreg.scid  }
0x2: {  	s0 =	stileid.u32;
	s4 =	rddreg [dreg:$0x0];
	s2 =	simm.s32 $0x0  }
0x3: {  	s9 =	simm.s32 $0x1280;
	s3 =	sand.u32 $0x1, s1;
	s5 =	sshll.u32 s0, $0x1  }
0x4: {  	s10 =	simm.s32 $0x1;
	s11 =	simm.s32 $0x1F80;
	s5 =	sor.u32 s3, s5  }
0x5: {  	s12 =	simm.s32 $0x0;
	s1 =	rddreg [dreg:$0x1];
	s6 =	smul.u32 $0x1260, s5  }
0x6: {  	[smem:$0x7FF] =	sst s2;
	s7 =	ssub.s32 $0x2, s3;
	s5 =	smul.u32 $0x1880, s5  }
0x7: {  	v3 =	vlaneseq.u32;
	_ =	strace $0x8000004A;
	s3 =	sadd.s32 $0xC00, s4;
	s8 =	sshrl.u32 s7, $0x1  }
0x8: {  	v0 =	vmul.u32 $0x3, v3;
	s7 =	ssub.s32 s7, s8;
	s6 =	sshrl.u32 s6, $0x3;
	s5 =	sadd.s32 s5, s4  }
0x9: {  	s8 =	simm.s32 $0x620;
	s4 =	sadd.s32 s4, s6;
	s5 =	sadd.s32 $0x87000, s5  }
0xa: {  	v3 =	vmul.u32 $0x20, v3;
	v1 =	vadd.s32 $0x1, v0;
	v2 =	vadd.s32 $0x2, v0;
	s6 =	smax.u32 s7, $0x1;
	s7 =	simm.s32 $0x2;
	s4 =	sadd.s32 $0x82580, s4  }
.LBB2_1:
0xb: {  	v4 =	vmov s2  }
0xc: {  	v4 =	vmul.u32 $0x3, v4;
	_ =	sdelay $0x1  }
0xd: {  	v4 =	vbroadcast v4, $0x0;
	_ =	sdelay $0x1  }
0xe: {  	v5 =	vadd.s32 v0, v4  }
0xf: {  	[tilespmem:s2], [sflag:$0x2] =	stream.linear.gather [hbm4b:s4+s2], $0x1260, $0x38;
	[tilespmem:$0xE380] =	vst v63  }
0x10: {  	_ =	swait.ge [sflag:s7], $0x1260;
	v6 =	vadd.s32 v1, v4  }
0x11: {  	[sflag:s7] =	ssyncset.done $0x0  }
0x12: {  	[sflag:s7] =	ssyncadd.s32 $0xFFFFEDA0  }
0x13: {  	v4 =	vadd.s32 v2, v4;
	v5 =	vld.idx.msk [tilespmem:v5+s2+$0x0], $0xffff  }
0x14: {  	s13 =	simm.s32 $0x10  }
0x15: {  	v7 =	vmov s13;
	v6 =	vld.idx.msk [tilespmem:v6+s2+$0x0], $0xffff  }
0x16: {  	v7 =	vmul.u32 $0x3, v7;
	_ =	sdelay $0x1  }
0x17: {  	v7 =	vbroadcast v7, $0x0;
	v4 =	vld.idx.msk [tilespmem:v4+s2+$0x0], $0xffff;
	v5 =	vmul.u32 $0xA0, v5;
	_ =	sdelay $0x1  }
0x18: {  	v8 =	vadd.s32 v0, v7;
	v5 =	vadd.s32 v6, v5  }
0x19: {  	v5 =	vmul.u32 $0xA0, v5  }
0x1a: {  	v9 =	vadd.s32 v1, v7  }
0x1b: {  	v4 =	vadd.s32 v4, v5  }
0x1c: {  	v6 =	vadd.s32 v2, v7;
	[tilespmem:s9+$0x0] =	vst v4  }
0x1d: {  	v4 =	vld.idx.msk [tilespmem:v8+s2+$0x0], $0xffff  }
0x1e: {  	s31 =	simm.s32 $0x20  }
0x1f: {  	s14 =	simm.s32 $0x30;
	s13 =	simm.s32 $0x1280;
	v7 =	vmov s31;
	v5 =	vld.idx.msk [tilespmem:v9+s2+$0x0], $0xffff  }
.LBB2_2:
0x20: {  	p0 =	sne.s32 s14, $0x610;
	v7 =	vmul.u32 $0x3, v7  }
0x21: {  	v6 =	vld.idx.msk [tilespmem:v6+s2+$0x0], $0xffff  }
0x22: {  	v4 =	vmul.u32 $0xA0, v4;
	v7 =	vbroadcast v7, $0x0;
	_ =	sdelay $0x1  }
0x23: {  	v4 =	vadd.s32 v5, v4;
	v8 =	vadd.s32 v0, v7  }
0x24: {  	v4 =	vmul.u32 $0xA0, v4  }
0x25: {  	v5 =	vadd.s32 v1, v7  }
0x26: {  	s13 =	sadd.s32 $0x10, s13;
	v4 =	vadd.s32 v6, v4  }
.Ltmp0:
0x27: {  	[tilespmem:s13+$0x0] =	vst v4;
	(pc) =	sbr.rel @p0 .LBB2_2-.Ltmp0, $3  }
0x28: {  	v6 =	vadd.s32 v2, v7;
	v4 =	vld.idx.msk [tilespmem:v8+s2+$0x0], $0xffff;
	_ =	sdelay $0x1  }
0x29: {  	v5 =	vld.idx.msk [tilespmem:v5+s2+$0x0], $0xffff  }
0x2a: {  	v7 =	vmov s14;
	s14 =	sadd.s32 $0x10, s14  }
0x2b: {  	_ =	sdelay $0x1  }
0x2c: {  	v7 =	vmul.u32 $0x3, v7;
	_ =	sdelay $0x1  }
0x2d: {  	v6 =	vld.idx.msk [tilespmem:v6+s2+$0x0], $0xffff;
	v4 =	vmul.u32 $0xA0, v4;
	v7 =	vbroadcast v7, $0x0;
	_ =	sdelay $0x1  }
0x2e: {  	v4 =	vadd.s32 v5, v4;
	v8 =	vadd.s32 v0, v7  }
0x2f: {  	v4 =	vmul.u32 $0xA0, v4  }
0x30: {  	v5 =	vadd.s32 v1, v7  }
0x31: {  	s13 =	sadd.s32 $0x10, s13;
	v4 =	vadd.s32 v6, v4  }
0x32: {  	[tilespmem:s13+$0x0] =	vst v4  }
0x33: {  	v6 =	vadd.s32 v2, v7;
	v4 =	vld.idx.msk [tilespmem:v8+s2+$0x0], $0xffff;
	_ =	sdelay $0x1  }
0x34: {  	v5 =	vld.idx.msk [tilespmem:v5+s2+$0x0], $0xffff;
	_ =	sdelay $0x2  }
0x35: {  	v6 =	vld.idx.msk [tilespmem:v6+s2+$0x0], $0xffff;
	v4 =	vmul.u32 $0xA0, v4  }
0x36: {  	s14 =	simm.s32 $0x0  }
0x37: {  	v4 =	vadd.s32 v5, v4;
	v5 =	vmov s14  }
0x38: {  	v4 =	vmul.u32 $0xA0, v4;
	v5 =	vshll.u32 v5, $0x5  }
0x39: {  	v25 =	vor.u32 v3, v5  }
0x3a: {  	v4 =	vadd.s32 v6, v4;
	v26 =	vor.u32 $0x1, v25  }
0x3b: {  	v27 =	vor.u32 $0x2, v25;
	v28 =	vor.u32 $0x4, v25;
	v29 =	vor.u32 $0x6, v25  }
0x3c: {  	v23 =	vor.u32 $0x13, v25;
	v22 =	vor.u32 $0x14, v25;
	v30 =	vor.u32 $0x10, v25  }
0x3d: {  	v31 =	vor.u32 $0x11, v25;
	v32 =	vor.u32 $0x3, v25;
	v33 =	vor.u32 $0x8, v25  }
0x3e: {  	s13 =	sadd.s32 $0x10, s13;
	v34 =	vor.u32 $0xC, v25;
	v35 =	vor.u32 $0xD, v25;
	v36 =	vor.u32 $0x9, v25  }
0x3f: {  	s30 =	simm.s32 $0x1900;
	s31 =	simm.s32 $0x10;
	v37 =	vor.u32 $0xA, v25;
	v38 =	vor.u32 $0x7, v25;
	v19 =	vor.u32 $0x19, v25;
	[tilespmem:s13+$0x0] =	vst v4  }
0x40: {  	v20 =	vor.u32 $0x1A, v25;
	v24 =	vor.u32 $0x17, v25;
	v21 =	vor.u32 $0x18, v25;
	[tilespmem:s30], [sflag:$0x1] =	stream.indirect.gather [hbm4b:s3+s8], $0x1, s9, s8, $0xb8;
	[tilespmem:$0xE380] =	vst v63  }
0x41: {  	v39 =	vor.u32 $0x15, v25;
	v40 =	vor.u32 $0x16, v25;
	v4 =	vmov s31;
	_ =	swait.ge [sflag:s10], $0x620  }
0x42: {  	v42 =	vor.u32 $0x12, v25;
	v43 =	vor.u32 $0xF, v25;
	v4 =	vshll.u32 v4, $0x5;
	[sflag:s10] =	ssyncset.done $0x0  }
0x43: {  	v44 =	vor.u32 $0xE, v25;
	v45 =	vor.u32 $0xB, v25;
	v16 =	vor.u32 v3, v4;
	[sflag:s10] =	ssyncadd.s32 $0xFFFFF9E0  }
0x44: {  	v46 =	vor.u32 $0x5, v25;
	v17 =	vor.u32 $0x1, v16;
	v15 =	vor.u32 $0x2, v16;
	v41 =	vld [tilespmem:s30+$0x0]  }
0x45: {  	v14 =	vor.u32 $0x4, v16;
	v11 =	vor.u32 $0x6, v16;
	v5 =	vor.u32 $0x13, v16  }
0x46: {  	v4 =	vor.u32 $0x14, v16;
	v7 =	vor.u32 $0x10, v16;
	v6 =	vor.u32 $0x11, v16  }
0x47: {  	v18 =	vor.u32 $0x3, v16;
	v12 =	vor.u32 $0x8, v16;
	v9 =	vor.u32 $0xC, v16  }
0x48: {  	v8 =	vor.u32 $0xD, v16;
	v13 =	vor.u32 $0x9, v16;
	v10 =	vor.u32 $0xA, v16  }
0x49: {  	v47 =	vshrl.u32 v41, $0x3;
	v48 =	vand.u32 $0x1, v41;
	v49 =	vshrl.u32 v41, $0x1  }
0x4a: {  	v50 =	vshrl.u32 v41, $0x2;
	v48 =	vcvt.s32.f32 v48;
	v49 =	vand.u32 $0x1, v49  }
0x4b: {  	v59 =	vshrl.u32 v41, $0x4;
	v50 =	vand.u32 $0x1, v50;
	v49 =	vcvt.s32.f32 v49  }
0x4c: {  	v60 =	vshrl.u32 v41, $0x5;
	v47 =	vand.u32 $0x1, v47;
	v50 =	vcvt.s32.f32 v50;
	[tilespmem:v25+s11+$0x0] =	vst.idx.msk $0xffff, v48  }
0x4d: {  	v61 =	vshrl.u32 v41, $0x6;
	v25 =	vcvt.s32.f32 v47;
	[tilespmem:v26+s11+$0x0] =	vst.idx.msk $0xffff, v49;
	v26 =	vand.u32 $0x1, v59  }
0x4e: {  	v62 =	vshrl.u32 v41, $0x7;
	v48 =	vand.u32 $0x1, v60;
	[tilespmem:v27+s11+$0x0] =	vst.idx.msk $0xffff, v50;
	v26 =	vcvt.s32.f32 v26  }
0x4f: {  	v63 =	vshrl.u32 v41, $0x8;
	v27 =	vand.u32 $0x1, v61;
	[tilespmem:v32+s11+$0x0] =	vst.idx.msk $0xffff, v25;
	v25 =	vcvt.s32.f32 v48  }
0x50: {  	v51 =	vshrl.u32 v41, $0xC;
	v47 =	vand.u32 $0x1, v62;
	[tilespmem:v28+s11+$0x0] =	vst.idx.msk $0xffff, v26;
	v26 =	vcvt.s32.f32 v27  }
0x51: {  	v48 =	vshrl.u32 v41, $0x9;
	v27 =	vand.u32 $0x1, v63;
	[tilespmem:v46+s11+$0x0] =	vst.idx.msk $0xffff, v25;
	v25 =	vcvt.s32.f32 v47  }
0x52: {  	v49 =	vshrl.u32 v41, $0xA;
	v28 =	vand.u32 $0x1, v48;
	[tilespmem:v29+s11+$0x0] =	vst.idx.msk $0xffff, v26;
	v26 =	vcvt.s32.f32 v27  }
0x53: {  	v50 =	vshrl.u32 v41, $0xB;
	v27 =	vand.u32 $0x1, v49;
	[tilespmem:v38+s11+$0x0] =	vst.idx.msk $0xffff, v25;
	v25 =	vcvt.s32.f32 v28  }
0x54: {  	v52 =	vshrl.u32 v41, $0xD;
	v29 =	vand.u32 $0x1, v50;
	[tilespmem:v33+s11+$0x0] =	vst.idx.msk $0xffff, v26;
	v26 =	vcvt.s32.f32 v27  }
0x55: {  	v53 =	vshrl.u32 v41, $0xE;
	v27 =	vand.u32 $0x1, v51;
	[tilespmem:v36+s11+$0x0] =	vst.idx.msk $0xffff, v25;
	v25 =	vcvt.s32.f32 v29  }
0x56: {  	v54 =	vshrl.u32 v41, $0xF;
	v28 =	vand.u32 $0x1, v52;
	[tilespmem:v37+s11+$0x0] =	vst.idx.msk $0xffff, v26;
	v26 =	vcvt.s32.f32 v27  }
0x57: {  	v55 =	vshrl.u32 v41, $0x10;
	v27 =	vand.u32 $0x1, v53;
	[tilespmem:v45+s11+$0x0] =	vst.idx.msk $0xffff, v25;
	v25 =	vcvt.s32.f32 v28  }
0x58: {  	v56 =	vshrl.u32 v41, $0x11;
	v29 =	vand.u32 $0x1, v54;
	[tilespmem:v34+s11+$0x0] =	vst.idx.msk $0xffff, v26;
	v26 =	vcvt.s32.f32 v27  }
0x59: {  	v57 =	vshrl.u32 v41, $0x12;
	v27 =	vand.u32 $0x1, v55;
	[tilespmem:v35+s11+$0x0] =	vst.idx.msk $0xffff, v25;
	v25 =	vcvt.s32.f32 v29  }
0x5a: {  	v58 =	vshrl.u32 v41, $0x13;
	v28 =	vand.u32 $0x1, v56;
	[tilespmem:v44+s11+$0x0] =	vst.idx.msk $0xffff, v26;
	v26 =	vcvt.s32.f32 v27  }
0x5b: {  	v60 =	vshrl.u32 v41, $0x15;
	v27 =	vand.u32 $0x1, v57;
	[tilespmem:v43+s11+$0x0] =	vst.idx.msk $0xffff, v25;
	v25 =	vcvt.s32.f32 v28  }
0x5c: {  	v59 =	vshrl.u32 v41, $0x14;
	v29 =	vand.u32 $0x1, v58;
	[tilespmem:v30+s11+$0x0] =	vst.idx.msk $0xffff, v26;
	v26 =	vcvt.s32.f32 v27  }
0x5d: {  	v62 =	vshrl.u32 v41, $0x17;
	v27 =	vand.u32 $0x1, v59;
	[tilespmem:v31+s11+$0x0] =	vst.idx.msk $0xffff, v25;
	v25 =	vcvt.s32.f32 v29  }
0x5e: {  	v61 =	vshrl.u32 v41, $0x16;
	v28 =	vand.u32 $0x1, v60;
	[tilespmem:v42+s11+$0x0] =	vst.idx.msk $0xffff, v26;
	v26 =	vcvt.s32.f32 v27  }
0x5f: {  	v27 =	vand.u32 $0x1, v61;
	[tilespmem:v23+s11+$0x0] =	vst.idx.msk $0xffff, v25;
	v23 =	vcvt.s32.f32 v28;
	v25 =	vshrl.u32 v41, $0x18  }
0x60: {  	v63 =	vand.u32 $0x1, v62;
	[tilespmem:v22+s11+$0x0] =	vst.idx.msk $0xffff, v26;
	v22 =	vcvt.s32.f32 v27;
	v25 =	vand.u32 $0x1, v25  }
0x61: {  	v26 =	vshrl.u32 v41, $0x19;
	v27 =	vshrl.u32 v41, $0x1A;
	[tilespmem:v39+s11+$0x0] =	vst.idx.msk $0xffff, v23;
	v23 =	vcvt.s32.f32 v63  }
0x62: {  	v26 =	vand.u32 $0x1, v26;
	v25 =	vcvt.s32.f32 v25;
	v27 =	vand.u32 $0x1, v27;
	[tilespmem:v40+s11+$0x0] =	vst.idx.msk $0xffff, v22  }
0x63: {  	s15 =	simm.s32 $0x1920;
	s14 =	simm.s32 $0x20;
	s13 =	simm.s32 $0x1910;
	v22 =	vor.u32 $0x7, v16;
	[tilespmem:v24+s11+$0x0] =	vst.idx.msk $0xffff, v23;
	v24 =	vcvt.s32.f32 v26;
	v26 =	vcvt.s32.f32 v27  }
.LBB2_4:
0x64: {  	v23 =	vmov s14;
	p0 =	sne.s32 s14, $0x610;
	s14 =	sadd.s32 $0x10, s14;
	v27 =	vor.u32 $0x19, v16;
	v28 =	vor.u32 $0x1A, v16;
	[tilespmem:v21+s11+$0x0] =	vst.idx.msk $0xffff, v25  }
0x65: {  	v21 =	vor.u32 $0x18, v16;
	v25 =	vshll.u32 v23, $0x5;
	v23 =	vor.u32 $0x17, v16;
	[tilespmem:v19+s11+$0x0] =	vst.idx.msk $0xffff, v24;
	v19 =	vmovc v27  }
0x66: {  	v24 =	vor.u32 $0x16, v16;
	v31 =	vor.u32 v3, v25;
	v25 =	vor.u32 $0x15, v16;
	[tilespmem:v20+s11+$0x0] =	vst.idx.msk $0xffff, v26;
	v20 =	vmovc v28  }
0x67: {  	v29 =	vor.u32 $0x12, v16;
	v32 =	vor.u32 $0x1, v31;
	v33 =	vor.u32 $0x2, v31;
	v26 =	vld [tilespmem:s13+$0x0];
	s13 =	smov.u32 s15  }
0x68: {  	v36 =	vor.u32 $0xF, v16;
	v34 =	vor.u32 $0x4, v31;
	v35 =	vor.u32 $0x6, v31  }
0x69: {  	v37 =	vor.u32 $0xE, v16;
	v28 =	vor.u32 $0x13, v31;
	v27 =	vor.u32 $0x14, v31  }
0x6a: {  	v39 =	vor.u32 $0xB, v16;
	v38 =	vor.u32 $0x10, v31;
	v30 =	vor.u32 $0x11, v31  }
0x6b: {  	v42 =	vor.u32 $0x5, v16;
	v40 =	vor.u32 $0x3, v31;
	v41 =	vor.u32 $0x8, v31  }
0x6c: {  	v43 =	vor.u32 $0xC, v31;
	v44 =	vor.u32 $0xD, v31;
	v45 =	vshrl.u32 v26, $0x3  }
0x6d: {  	v46 =	vor.u32 $0x9, v31;
	v47 =	vor.u32 $0xA, v31;
	v48 =	vshrl.u32 v26, $0x2  }
0x6e: {  	v49 =	vor.u32 $0x7, v31;
	v50 =	vand.u32 $0x1, v26;
	v51 =	vshrl.u32 v26, $0x1  }
0x6f: {  	v50 =	vcvt.s32.f32 v50;
	v51 =	vand.u32 $0x1, v51;
	v48 =	vand.u32 $0x1, v48  }
0x70: {  	v45 =	vand.u32 $0x1, v45;
	v51 =	vcvt.s32.f32 v51;
	v48 =	vcvt.s32.f32 v48  }
0x71: {  	v52 =	vshrl.u32 v26, $0x5;
	v45 =	vcvt.s32.f32 v45;
	[tilespmem:v16+s11+$0x0] =	vst.idx.msk $0xffff, v50;
	v50 =	vshrl.u32 v26, $0x4;
	v16 =	vmovc v31  }
0x72: {  	[tilespmem:v17+s11+$0x0] =	vst.idx.msk $0xffff, v51;
	v31 =	vand.u32 $0x1, v50;
	v50 =	vand.u32 $0x1, v52;
	v51 =	vshrl.u32 v26, $0x6;
	v17 =	vmovc v32  }
0x73: {  	[tilespmem:v15+s11+$0x0] =	vst.idx.msk $0xffff, v48;
	v31 =	vcvt.s32.f32 v31;
	v32 =	vand.u32 $0x1, v51;
	v48 =	vshrl.u32 v26, $0x7;
	v15 =	vmovc v33  }
0x74: {  	v33 =	vcvt.s32.f32 v50;
	[tilespmem:v18+s11+$0x0] =	vst.idx.msk $0xffff, v45;
	v45 =	vand.u32 $0x1, v48;
	v48 =	vshrl.u32 v26, $0x8;
	v18 =	vmovc v40  }
0x75: {  	v40 =	vshrl.u32 v26, $0x9;
	[tilespmem:v14+s11+$0x0] =	vst.idx.msk $0xffff, v31;
	v31 =	vcvt.s32.f32 v32;
	v32 =	vand.u32 $0x1, v48;
	v14 =	vmovc v34  }
0x76: {  	v34 =	vand.u32 $0x1, v40;
	v40 =	vshrl.u32 v26, $0xA;
	[tilespmem:v42+s11+$0x0] =	vst.idx.msk $0xffff, v33;
	v33 =	vcvt.s32.f32 v45  }
0x77: {  	[tilespmem:v11+s11+$0x0] =	vst.idx.msk $0xffff, v31;
	v31 =	vcvt.s32.f32 v32;
	v32 =	vand.u32 $0x1, v40;
	v40 =	vshrl.u32 v26, $0xB;
	v11 =	vmovc v35  }
0x78: {  	v35 =	vshrl.u32 v26, $0xC;
	[tilespmem:v22+s11+$0x0] =	vst.idx.msk $0xffff, v33;
	v33 =	vcvt.s32.f32 v34;
	v34 =	vand.u32 $0x1, v40;
	v22 =	vmovc v49  }
0x79: {  	[tilespmem:v12+s11+$0x0] =	vst.idx.msk $0xffff, v31;
	v31 =	vcvt.s32.f32 v32;
	v32 =	vand.u32 $0x1, v35;
	v35 =	vshrl.u32 v26, $0xD;
	v12 =	vmovc v41  }
0x7a: {  	[tilespmem:v13+s11+$0x0] =	vst.idx.msk $0xffff, v33;
	v33 =	vcvt.s32.f32 v34;
	v34 =	vand.u32 $0x1, v35;
	v35 =	vshrl.u32 v26, $0xE;
	v13 =	vmovc v46  }
0x7b: {  	[tilespmem:v10+s11+$0x0] =	vst.idx.msk $0xffff, v31;
	v31 =	vcvt.s32.f32 v32;
	v32 =	vand.u32 $0x1, v35;
	v35 =	vshrl.u32 v26, $0xF;
	v10 =	vmovc v47  }
0x7c: {  	[tilespmem:v39+s11+$0x0] =	vst.idx.msk $0xffff, v33;
	v33 =	vcvt.s32.f32 v34;
	v34 =	vand.u32 $0x1, v35;
	v35 =	vshrl.u32 v26, $0x10  }
0x7d: {  	[tilespmem:v9+s11+$0x0] =	vst.idx.msk $0xffff, v31;
	v31 =	vcvt.s32.f32 v32;
	v32 =	vand.u32 $0x1, v35;
	v35 =	vshrl.u32 v26, $0x11;
	v9 =	vmovc v43  }
0x7e: {  	[tilespmem:v8+s11+$0x0] =	vst.idx.msk $0xffff, v33;
	v33 =	vcvt.s32.f32 v34;
	v34 =	vand.u32 $0x1, v35;
	v35 =	vshrl.u32 v26, $0x12;
	v8 =	vmovc v44  }
0x7f: {  	[tilespmem:v37+s11+$0x0] =	vst.idx.msk $0xffff, v31;
	v31 =	vcvt.s32.f32 v32;
	v32 =	vand.u32 $0x1, v35;
	v35 =	vshrl.u32 v26, $0x13  }
0x80: {  	[tilespmem:v36+s11+$0x0] =	vst.idx.msk $0xffff, v33;
	v33 =	vcvt.s32.f32 v34;
	v34 =	vand.u32 $0x1, v35;
	v35 =	vshrl.u32 v26, $0x14  }
0x81: {  	[tilespmem:v7+s11+$0x0] =	vst.idx.msk $0xffff, v31;
	v31 =	vcvt.s32.f32 v32;
	v32 =	vand.u32 $0x1, v35;
	v35 =	vshrl.u32 v26, $0x15;
	v7 =	vmovc v38  }
0x82: {  	[tilespmem:v6+s11+$0x0] =	vst.idx.msk $0xffff, v33;
	v33 =	vcvt.s32.f32 v34;
	v34 =	vand.u32 $0x1, v35;
	v35 =	vshrl.u32 v26, $0x16;
	v6 =	vmovc v30  }
0x83: {  	[tilespmem:v29+s11+$0x0] =	vst.idx.msk $0xffff, v31;
	v29 =	vcvt.s32.f32 v32;
	v30 =	vand.u32 $0x1, v35;
	v31 =	vshrl.u32 v26, $0x17  }
.Ltmp1:
0x84: {  	v32 =	vcvt.s32.f32 v34;
	[tilespmem:v5+s11+$0x0] =	vst.idx.msk $0xffff, v33;
	v31 =	vand.u32 $0x1, v31;
	v33 =	vshrl.u32 v26, $0x18;
	v5 =	vmovc v28;
	(pc) =	sbr.rel @p0 .LBB2_4-.Ltmp1, $4  }
0x85: {  	v28 =	vcvt.s32.f32 v30;
	v30 =	vshrl.u32 v26, $0x19;
	[tilespmem:v4+s11+$0x0] =	vst.idx.msk $0xffff, v29;
	v29 =	vand.u32 $0x1, v33;
	v4 =	vmovc v27  }
0x86: {  	v26 =	vshrl.u32 v26, $0x1A;
	v27 =	vcvt.s32.f32 v31;
	v30 =	vand.u32 $0x1, v30;
	[tilespmem:v25+s11+$0x0] =	vst.idx.msk $0xffff, v32  }
0x87: {  	v26 =	vand.u32 $0x1, v26;
	v25 =	vcvt.s32.f32 v29;
	[tilespmem:v24+s11+$0x0] =	vst.idx.msk $0xffff, v28  }
0x88: {  	s15 =	sadd.s32 $0x10, s15;
	v26 =	vcvt.s32.f32 v26;
	v24 =	vcvt.s32.f32 v30;
	[tilespmem:v23+s11+$0x0] =	vst.idx.msk $0xffff, v27  }
0x89: {  	_ =	sdelay $0x3  }
0x8a: {  	[tilespmem:v21+s11+$0x0] =	vst.idx.msk $0xffff, v25  }
0x8b: {  	[tilespmem:v19+s11+$0x0] =	vst.idx.msk $0xffff, v24  }
0x8c: {  	[tilespmem:v20+s11+$0x0] =	vst.idx.msk $0xffff, v26  }
0x8d: {  	v19 =	vld [tilespmem:s13+$0x0]  }
0x8e: {  	v21 =	vor.u32 $0x1A, v16  }
0x8f: {  	v23 =	vor.u32 $0x17, v16;
	v25 =	vor.u32 $0x15, v16;
	v27 =	vor.u32 $0x12, v16  }
0x90: {  	v28 =	vor.u32 $0xF, v16;
	v29 =	vor.u32 $0xE, v16;
	v30 =	vor.u32 $0xB, v16  }
0x91: {  	v31 =	vor.u32 $0x5, v16;
	v24 =	vor.u32 $0x18, v16;
	v20 =	vor.u32 $0x19, v16  }
0x92: {  	v26 =	vor.u32 $0x16, v16;
	v32 =	vand.u32 $0x1, v19;
	v33 =	vshrl.u32 v19, $0x1  }
0x93: {  	v34 =	vshrl.u32 v19, $0x2;
	v32 =	vcvt.s32.f32 v32;
	v33 =	vand.u32 $0x1, v33  }
0x94: {  	v35 =	vshrl.u32 v19, $0x3;
	v34 =	vand.u32 $0x1, v34;
	v33 =	vcvt.s32.f32 v33  }
0x95: {  	v43 =	vshrl.u32 v19, $0x4;
	v35 =	vand.u32 $0x1, v35;
	v34 =	vcvt.s32.f32 v34;
	[tilespmem:v16+s11+$0x0] =	vst.idx.msk $0xffff, v32  }
0x96: {  	v45 =	vshrl.u32 v19, $0x5;
	v44 =	vcvt.s32.f32 v35;
	v16 =	vand.u32 $0x1, v43;
	[tilespmem:v17+s11+$0x0] =	vst.idx.msk $0xffff, v33  }
0x97: {  	v47 =	vshrl.u32 v19, $0x6;
	v46 =	vand.u32 $0x1, v45;
	v48 =	vcvt.s32.f32 v16;
	[tilespmem:v15+s11+$0x0] =	vst.idx.msk $0xffff, v34  }
0x98: {  	v50 =	vshrl.u32 v19, $0x7;
	v49 =	vand.u32 $0x1, v47;
	v17 =	vcvt.s32.f32 v46;
	[tilespmem:v18+s11+$0x0] =	vst.idx.msk $0xffff, v44  }
0x99: {  	v52 =	vshrl.u32 v19, $0x8;
	v51 =	vand.u32 $0x1, v50;
	v53 =	vcvt.s32.f32 v49;
	[tilespmem:v14+s11+$0x0] =	vst.idx.msk $0xffff, v48  }
0x9a: {  	v55 =	vshrl.u32 v19, $0x9;
	v54 =	vand.u32 $0x1, v52;
	v56 =	vcvt.s32.f32 v51;
	[tilespmem:v31+s11+$0x0] =	vst.idx.msk $0xffff, v17  }
0x9b: {  	v57 =	vshrl.u32 v19, $0xA;
	v58 =	vcvt.s32.f32 v54;
	v16 =	vand.u32 $0x1, v55;
	[tilespmem:v11+s11+$0x0] =	vst.idx.msk $0xffff, v53  }
0x9c: {  	v60 =	vshrl.u32 v19, $0xB;
	v59 =	vand.u32 $0x1, v57;
	v16 =	vcvt.s32.f32 v16;
	[tilespmem:v22+s11+$0x0] =	vst.idx.msk $0xffff, v56  }
0x9d: {  	v61 =	vshrl.u32 v19, $0xC;
	v62 =	vcvt.s32.f32 v59;
	v15 =	vand.u32 $0x1, v60;
	[tilespmem:v12+s11+$0x0] =	vst.idx.msk $0xffff, v58  }
0x9e: {  	v63 =	vand.u32 $0x1, v61;
	v18 =	vcvt.s32.f32 v15;
	v17 =	vshrl.u32 v19, $0xD;
	[tilespmem:v13+s11+$0x0] =	vst.idx.msk $0xffff, v16  }
0x9f: {  	v31 =	vcvt.s32.f32 v63;
	v14 =	vand.u32 $0x1, v17;
	v22 =	vshrl.u32 v19, $0xE;
	[tilespmem:v10+s11+$0x0] =	vst.idx.msk $0xffff, v62  }
0xa0: {  	v33 =	vshrl.u32 v19, $0xF;
	v34 =	vcvt.s32.f32 v14;
	v32 =	vand.u32 $0x1, v22;
	[tilespmem:v30+s11+$0x0] =	vst.idx.msk $0xffff, v18  }
0xa1: {  	v35 =	vshrl.u32 v19, $0x10;
	v12 =	vand.u32 $0x1, v33;
	v36 =	vcvt.s32.f32 v32;
	[tilespmem:v9+s11+$0x0] =	vst.idx.msk $0xffff, v31  }
0xa2: {  	v38 =	vshrl.u32 v19, $0x11;
	v37 =	vand.u32 $0x1, v35;
	v39 =	vcvt.s32.f32 v12;
	[tilespmem:v8+s11+$0x0] =	vst.idx.msk $0xffff, v34  }
0xa3: {  	v40 =	vshrl.u32 v19, $0x12;
	v41 =	vcvt.s32.f32 v37;
	v11 =	vand.u32 $0x1, v38;
	[tilespmem:v29+s11+$0x0] =	vst.idx.msk $0xffff, v36  }
0xa4: {  	v42 =	vand.u32 $0x1, v40;
	v43 =	vshrl.u32 v19, $0x13;
	v44 =	vcvt.s32.f32 v11;
	[tilespmem:v28+s11+$0x0] =	vst.idx.msk $0xffff, v39  }
0xa5: {  	v47 =	vcvt.s32.f32 v42;
	v45 =	vand.u32 $0x1, v43;
	v46 =	vshrl.u32 v19, $0x14;
	[tilespmem:v7+s11+$0x0] =	vst.idx.msk $0xffff, v41  }
0xa6: {  	v49 =	vshrl.u32 v19, $0x15;
	v50 =	vcvt.s32.f32 v45;
	v48 =	vand.u32 $0x1, v46;
	[tilespmem:v6+s11+$0x0] =	vst.idx.msk $0xffff, v44  }
0xa7: {  	v52 =	vshrl.u32 v19, $0x16;
	v51 =	vand.u32 $0x1, v49;
	v53 =	vcvt.s32.f32 v48;
	[tilespmem:v27+s11+$0x0] =	vst.idx.msk $0xffff, v47  }
0xa8: {  	v54 =	vand.u32 $0x1, v52;
	v55 =	vshrl.u32 v19, $0x17;
	[tilespmem:v5+s11+$0x0] =	vst.idx.msk $0xffff, v50;
	v5 =	vcvt.s32.f32 v51  }
0xa9: {  	v57 =	vshrl.u32 v19, $0x18;
	v56 =	vand.u32 $0x1, v55;
	[tilespmem:v4+s11+$0x0] =	vst.idx.msk $0xffff, v53;
	v4 =	vcvt.s32.f32 v54  }
0xaa: {  	v59 =	vshrl.u32 v19, $0x19;
	v58 =	vand.u32 $0x1, v57;
	[tilespmem:v25+s11+$0x0] =	vst.idx.msk $0xffff, v5;
	v5 =	vcvt.s32.f32 v56  }
0xab: {  	v61 =	vshrl.u32 v19, $0x1A;
	v60 =	vand.u32 $0x1, v59;
	[tilespmem:v26+s11+$0x0] =	vst.idx.msk $0xffff, v4;
	v4 =	vcvt.s32.f32 v58  }
0xac: {  	v62 =	vand.u32 $0x1, v61;
	[tilespmem:v23+s11+$0x0] =	vst.idx.msk $0xffff, v5;
	v5 =	vcvt.s32.f32 v60  }
0xad: {  	s12 =	sadd.s32 $0x1, s12;
	v63 =	vcvt.s32.f32 v62;
	[tilespmem:v24+s11+$0x0] =	vst.idx.msk $0xffff, v4  }
0xae: {  	p0 =	sne.s32 s12, s6;
	[tilespmem:v20+s11+$0x0] =	vst.idx.msk $0xffff, v5  }
.Ltmp2:
0xaf: {  	[tilespmem:v21+s11+$0x0] =	vst.idx.msk $0xffff, v63;
	(pc) =	sbr.rel @p0 .LBB2_1-.Ltmp2, $4  }
0xb0: {  	[hbm4b:s5+s2] =	stream.linear.scatter [tilespmem:s11], [sflag:$0x2], $0xC400, $0x38;
	[tilespmem:$0xE380] =	vst v63  }
0xb1: {  	_ =	swait.ge [sflag:s7], $0xC400  }
0xb2: {  	[sflag:s7] =	ssyncset.done $0x0  }
0xb3: {  	[sflag:s7] =	ssyncadd.s32 $0xFFFF3C00  }
0xb4: {  	_ =	sfence.sel $0x180000  }
0xb5: {  	[bflag:$0x0] =	sbarrier.arrive $0xFFFF  }
0xb6: {  	p0 =	sne.s32 s0, $0x0;
	_ =	strace $0x9000004A  }
0xb7: {  	s0 =	sadd.s32 @!p0 $0x100000, s1;
	[bflag:$0x2] =	sbarrier.arrive $0xFFFF  }
0xb8: {  	[sflag:s0] =	ssyncadd.tile.s32 @!p0 $0x1;
	_ =	shalt  }
.Lfunc_end2:
_tile_overlayer_lowered:
.L_overlay_start_2:
0xb9: {  	(tag) =	ssettag $0x2  }
0xba: {  	s0 =	rddreg [dreg:$0x0];
	s2 =	stileid.u32  }
0xbb: {  	s1 =	rddreg [dreg:$0x1];
	p0 =	sne.s32 s2, $0x0  }
0xbc: {  	s3 =	rddreg [dreg:$0x2];
	[bflag:$0x3] =	sbarrier.arrive $0xFFFF;
	s2 =	simm.s32 @!p0 $0x1C02  }
0xbd: {  	[timem:s3], [sflag:s2] =	dma.local @!p0 [hbm:s0], s1  }
0xbe: {  	s0 =	simm.s32 @!p0 $0x2  }
0xbf: {  	_ =	swait.ge @!p0 [sflag:s0], s1  }
0xc0: {  	s1 =	ssub.s32 @!p0 $0x0, s1;
	[sflag:s0] =	ssyncset.done @!p0 $0x0  }
0xc1: {  	[sflag:s0] =	ssyncadd.s32 @!p0 s1  }
0xc2: {  	[bflag:$0x3] =	sbarrier.arrive $0xFFFF  }
0xc3: {  	_ =	shalt  }

// kernel: kernel.8.cloned.1.call-start
scs
__scs_entry_jumppad:
0x0: {  	(pc) =	sbr.rel $0x88, $3  }
0x1: {  	(tag) =	ssettag $0x0;
	lr =	simm.s32 $0x1  }
0x2: {  	[smem:$0x3F9D] =	sst lr;
	_ =	strace $0xD0000000  }
0x3: {  	_ = 	snop  }
0x4: {  	_ = 	snop  }
0x5: {  	_ = 	snop  }
0x6: {  	_ = 	snop  }
0x7: {  	_ = 	snop  }
__scs_overlays_trampoline_lowered:
0x8: {  	[smem:$0x3FAC] =	sst s0  }
0x9: {  	[smem:$0x3FAD] =	sst s1  }
0xa: {  	[smem:$0x3FAE] =	sst s2  }
0xb: {  	[smem:$0x3FAF] =	sst s3  }
0xc: {  	[smem:$0x3FB0] =	sst s4  }
0xd: {  	[smem:$0x3FB1] =	sst s5  }
0xe: {  	[smem:$0x3FB2] =	sst s6  }
0xf: {  	[smem:$0x3FB3] =	sst s7  }
0x10: {  	[smem:$0x3FB4] =	sst s8  }
0x11: {  	[smem:$0x3FB5] =	sst s9;
	s0 =	simm.s32 @!p0 $0x0  }
0x12: {  	s1 =	sld [smem:$0x3F9B];
	s0 =	simm.s32 @p0 $0x1  }
0x13: {  	[smem:$0x3FB6] =	sst s0;
	s0 =	simm.s32 @!p1 $0x0  }
0x14: {  	s2 =	sld [smem:$0x3F9A];
	s0 =	simm.s32 @p1 $0x1  }
0x15: {  	[smem:$0x3FB7] =	sst s0;
	s0 =	simm.s32 @!p2 $0x0  }
0x16: {  	s3 =	sld [smem:$0x3FDB];
	s0 =	simm.s32 @p2 $0x1  }
0x17: {  	s4 =	simm.s32 $0x1BF5;
	[smem:$0x3FB9] =	sst s0  }
0x18: {  	s0 =	sld [smem:$0x3F9C];
	_ =	swait.ge [sflag:s4], $0x0  }
0x19: {  	s7 =	sld [smem:$0x3F9D]  }
0x1a: {  	s8 =	sadd.s32 $0xFFFFE003, lr  }
0x1b: {  	s9 =	sadd.s32 $0xFFFFFEF7, lr;
	s5 =	simm.s32 $0xFFFFFFFF;
	p2 =	slt.u32 s8, $0xFFFFF086  }
0x1c: {  	p1 =	slt.u32 s9, $0xF7A;
	s5 =	simm.s32 @!p2 $0x0  }
0x1d: {  	s5 =	simm.s32 @p1 $0x1;
	p0 =	seq.s32 s7, s2  }
0x1e: {  	s7 =	smul.u32 @!p0 $0xF7A, s2;
	p2 =	seq.s32 @!p0 s5, $0x0  }
0x1f: {  	s9 =	smul.u32 $0xF7A, s1;
	s8 =	simm.s32 @!p0 $0x1BF5;
	p2 =	por !p2, p0  }
0x20: {  	[sflag:s8] =	ssyncset.s32 @!p0 $0xFFFFF086;
	s6 =	sadd.s32 @!p0 s3, s7;
	s7 =	simm.s32 @!p0 $0x108  }
0x21: {  	s3 =	sadd.s32 s3, s9;
	s6 =	sadd.s32 @!p0 $0x88, s6;
	s7 =	simm.s32 @p2 $0x1082  }
0x22: {  	[simem:s7], [sflag:s8] =	dma.local @!p0 [hbm:s6], $0xF7A  }
0x23: {  	s9 =	sor.u32 $0xD0000000, s2;
	s6 =	simm.s32 $0x108;
	_ =	swait.ge @!p0 [sflag:s8], $0x0  }
0x24: {  	s3 =	sadd.s32 $0x88, s3;
	s6 =	simm.s32 @!p1 $0x1082;
	[sflag:s4] =	ssyncset.s32 $0xFFFFF086  }
0x25: {  	[simem:s6], [sflag:s4] =	dma.local [hbm:s3], $0xF7A  }
0x26: {  	[smem:$0x3F9D] =	sst s1;
	(tag) =	ssettag s2;
	_ =	strace s9  }
0x27: {  	s1 =	sld [smem:$0x3FAD]  }
0x28: {  	s2 =	sld [smem:$0x3FAE]  }
0x29: {  	s4 =	sld [smem:$0x3FB0]  }
0x2a: {  	p0 =	seq.s32 s5, $0x0;
	s5 =	sld [smem:$0x3FB1]  }
0x2b: {  	s6 =	sld [smem:$0x3FB2]  }
0x2c: {  	s7 =	sld [smem:$0x3FB3]  }
0x2d: {  	s3 =	simm.s32 $0x108;
	s8 =	sld [smem:$0x3FB4]  }
0x2e: {  	s3 =	simm.s32 @!p0 $0x1082;
	s9 =	sld [smem:$0x3FB5]  }
0x2f: {  	lr =	sadd.s32 s0, s3;
	s0 =	sld [smem:$0x3FAC]  }
0x30: {  	s3 =	sld [smem:$0x3FAF]  }
0x31: {  	[smem:$0x3FB8] =	sst s10  }
0x32: {  	s10 =	sld [smem:$0x3FB6];
	_ =	sdelay $0x3  }
0x33: {  	p0 =	seq.s32 s10, $0x1;
	s10 =	sld [smem:$0x3FB8];
	_ =	sdelay $0x3  }
0x34: {  	[smem:$0x3FB8] =	sst s10  }
0x35: {  	s10 =	sld [smem:$0x3FB7];
	_ =	sdelay $0x3  }
0x36: {  	p1 =	seq.s32 s10, $0x1;
	s10 =	sld [smem:$0x3FB8];
	_ =	sdelay $0x3  }
0x37: {  	[smem:$0x3FB8] =	sst s10  }
0x38: {  	s10 =	sld [smem:$0x3FB9]  }
0x39: {  	_ = 	snop;
	(pc) =	sbr.ind lr, $3  }
0x3a: {  	_ = 	snop  }
0x3b: {  	_ = 	snop  }
0x3c: {  	p2 =	seq.s32 s10, $0x1;
	s10 =	sld [smem:$0x3FB8]  }
0x3d: {  	_ =	shalt  }
0x3e: {  	_ =	shalt  }
0x3f: {  	_ =	shalt  }
0x40: {  	_ =	shalt  }
0x41: {  	_ =	shalt  }
0x42: {  	_ =	shalt  }
0x43: {  	_ =	shalt  }
0x44: {  	_ =	shalt  }
0x45: {  	_ =	shalt  }
0x46: {  	_ =	shalt  }
0x47: {  	_ =	shalt  }
0x48: {  	_ =	shalt  }
0x49: {  	_ =	shalt  }
0x4a: {  	_ =	shalt  }
0x4b: {  	_ =	shalt  }
0x4c: {  	_ =	shalt  }
0x4d: {  	_ =	shalt  }
0x4e: {  	_ =	shalt  }
0x4f: {  	_ =	shalt  }
0x50: {  	_ =	shalt  }
0x51: {  	_ =	shalt  }
0x52: {  	_ =	shalt  }
0x53: {  	_ =	shalt  }
0x54: {  	_ =	shalt  }
0x55: {  	_ =	shalt  }
0x56: {  	_ =	shalt  }
0x57: {  	_ =	shalt  }
0x58: {  	_ =	shalt  }
0x59: {  	_ =	shalt  }
0x5a: {  	_ =	shalt  }
0x5b: {  	_ =	shalt  }
0x5c: {  	_ =	shalt  }
0x5d: {  	_ =	shalt  }
0x5e: {  	_ =	shalt  }
0x5f: {  	_ =	shalt  }
0x60: {  	_ =	shalt  }
0x61: {  	_ =	shalt  }
0x62: {  	_ =	shalt  }
0x63: {  	_ =	shalt  }
0x64: {  	_ =	shalt  }
0x65: {  	_ =	shalt  }
0x66: {  	_ =	shalt  }
0x67: {  	_ =	shalt  }
0x68: {  	_ =	shalt  }
0x69: {  	_ =	shalt  }
0x6a: {  	_ =	shalt  }
0x6b: {  	_ =	shalt  }
0x6c: {  	_ =	shalt  }
0x6d: {  	_ =	shalt  }
0x6e: {  	_ =	shalt  }
0x6f: {  	_ =	shalt  }
0x70: {  	_ =	shalt  }
0x71: {  	_ =	shalt  }
0x72: {  	_ =	shalt  }
0x73: {  	_ =	shalt  }
0x74: {  	_ =	shalt  }
0x75: {  	_ =	shalt  }
0x76: {  	_ =	shalt  }
0x77: {  	_ =	shalt  }
0x78: {  	_ =	shalt  }
0x79: {  	_ =	shalt  }
0x7a: {  	_ =	shalt  }
0x7b: {  	_ =	shalt  }
0x7c: {  	_ =	shalt  }
0x7d: {  	_ =	shalt  }
0x7e: {  	_ =	shalt  }
0x7f: {  	_ =	shalt  }
0x80: {  	_ =	shalt  }
0x81: {  	_ =	shalt  }
0x82: {  	_ =	shalt  }
0x83: {  	_ =	shalt  }
0x84: {  	_ =	shalt  }
0x85: {  	_ =	shalt  }
0x86: {  	_ =	shalt  }
0x87: {  	_ =	shalt  }
.Lfunc_end0:
.L_simem_size_0:
called_computation_lowered:
.L_overlay_start_0:
0x88: {  	s2 =	sld [smem:$0x3FD9]  }
0x89: {  	s3 =	sld [smem:$0x3FFE];
	_ =	sdelay $0x1  }
0x8a: {  	s1 =	srdreg.scid  }
0x8b: {  	s0 =	sand.u32 $0x1, s1  }
0x8c: {  	s17 =	sshll.u32 s0, $0xA;
	s2 =	sadd.s32 s3, s2  }
0x8d: {  	s2 =	sadd.s32 s2, s17  }
0x8e: {  	[smem:$0x3FC4] =	sst s2  }
0x8f: {  	_ = 	snop  }
0x90: {  	s2 =	sld [smem:$0x3FD0];
	(tm) =	ssettm $0x1  }
0x91: {  	s18 =	sld [smem:$0x3FFB];
	_ =	sdelay $0x3  }
0x92: {  	_ =	strace s18  }
0x93: {  	s3 =	sld [smem:$0x3FFC];
	_ =	sdelay $0x3  }
0x94: {  	_ =	strace s3  }
0x95: {  	s3 =	sld [smem:$0x3FFD];
	_ =	sdelay $0x3  }
0x96: {  	_ =	strace s3  }
0x97: {  	_ =	strace $0x8FFFFFFF  }
0x98: {  	s19 =	sld [smem:$0x3FDB];
	_ =	sdelay $0x1  }
0x99: {  	s4 =	simm.s32 $_scs_section_size  }
0x9a: {  	s5 =	simm.s32 $_size__tile_overlayer_lowered;
	s6 =	simm.s32 $_tile_overlayer_lowered  }
0x9b: {  	s22 =	simm.s32 $0x1BFF;
	s21 =	sshll.u32 s6, $0x1;
	s3 =	sadd.s32 s4, s19  }
0x9c: {  	s7 =	simm.s32 $0x0;
	s20 =	sshll.u32 s5, $0x1;
	s5 =	sadd.s32 s21, s3  }
0x9d: {  	[timem:s7], [sflag:s22] =	dma.local [hbm:s5], s20  }
0x9e: {  	_ =	swait.ge [sflag:s22], s20  }
0x9f: {  	s4 =	ssub.s32 $0x0, s20;
	[sflag:s22] =	ssyncset.done $0x0  }
0xa0: {  	[sflag:s22] =	ssyncadd.s32 s4;
	_ =	sdelay $0x1  }
0xa1: {  	s23 =	simm.s32 $0x1B8B  }
0xa2: {  	_ =	swait.ge [sflag:s23], $0x1  }
0xa3: {  	[sflag:s23] =	ssyncset.done $0x0  }
0xa4: {  	s25 =	simm.s32 $0x1B8E;
	s24 =	sld [smem:$0x3FFE];
	[sflag:s23] =	ssyncadd.s32 $0xFFFFFFFF  }
0xa5: {  	s26 =	simm.s32 $execute0_lowered;
	[smem:$0x3FD2] =	sst s25  }
0xa6: {  	s5 =	sshll.u32 s26, $0x1;
	_ =	strace $0x80000046;
	[dreg:$0x1] =	wrdreg $0xFFFFFFFF  }
0xa7: {  	s28 =	simm.s32 $_size_execute0_lowered;
	s3 =	sadd.s32 s3, s5;
	[dreg:$0x0] =	wrdreg $0x0  }
0xa8: {  	s5 =	sshll.u32 s28, $0x1;
	[dreg:$0x2] =	wrdreg s3  }
0xa9: {  	[dreg:$0x3] =	wrdreg s5  }
0xaa: {  	[dreg:$0x4] =	wrdreg $0xC0  }
0xab: {  	_ =	task [dreg:s7], $0x5FFFF  }
0xac: {  	[dreg:$0x1] =	wrdreg $0xFFFFFFFF  }
0xad: {  	[dreg:$0x0] =	wrdreg $0x60  }
0xae: {  	[dreg:$0x2] =	wrdreg s24  }
0xaf: {  	[dreg:$0x3] =	wrdreg s2  }
0xb0: {  	[dreg:$0x4] =	wrdreg $0x9  }
0xb1: {  	_ =	task.clear_ibuf [dreg:s7], $0x5FFFF;
	_ =	strace $0x90000046  }
0xb2: {  	s29 =	simm.s32 $0x9;
	_ =	strace $0x80000048  }
0xb3: {  	_ =	swait.ge [sflag:s29], $0x1  }
0xb4: {  	[sflag:s29] =	ssyncadd.s32 $0xFFFFFFFF  }
0xb5: {  	_ =	strace $0x90000048  }
0xb6: {  	_ =	sfence  }
0xb7: {  	s30 =	sld [smem:$0x0];
	_ =	sdelay $0x2  }
0xb8: {  	s31 =	sshll.u32 s1, $0xD;
	s1 =	sshrl.u32 s1, $0x2  }
0xb9: {  	s3 =	sand.u32 $0x4000, s31;
	s1 =	sadd.s32 s1, s30  }
0xba: {  	s0 =	sor.u32 s3, s0;
	s1 =	sshll.u32 s1, $0x11  }
0xbb: {  	s0 =	sor.u32 s1, s0  }
0xbc: {  	s0 =	sadd.s32 $0x8F2B, s0  }
0xbd: {  	[sflag:s0] =	ssyncadd.remote.s32 $0x1  }
0xbe: {  	_ =	sfence.sel $0xFFFF  }
0xbf: {  	[dreg:$0x0] =	wrdreg $0xFFFFFFFF;
	(pc) =	sbr.abs _section_cstart, $3  }
0xc0: {  	[dreg:$0x1] =	wrdreg $0xFFFFFFFF  }
0xc1: {  	_ =	task.clear_ibuf [dreg:s7], $0x2FFFF;
	_ =	strace $0x9FFFFFFF  }
0xc2: {  	(tm) =	ssettm $0x7FFFFFFF  }
0xc3: {  	_ =	shalt  }
tec
execute0_lowered:
.L_overlay_start_1:
0x0: {  	(tag) =	ssettag $0x1  }
0x1: {  	s3 =	rddreg [dreg:$0x0]  }
0x2: {  	s1 =	srdreg.scid;
	s0 =	stileid.u32  }
0x3: {  	s5 =	rddreg [dreg:$0x1];
	s2 =	simm.s32 $0x0;
	s9 =	simm.s32 $0x1280  }
0x4: {  	s10 =	simm.s32 $0x1;
	s4 =	sand.u32 $0x1, s1;
	s6 =	sshll.u32 s0, $0x1  }
0x5: {  	s11 =	simm.s32 $0x1F80;
	s12 =	simm.s32 $0x0;
	s6 =	sor.u32 s4, s6  }
0x6: {  	s1 =	rddreg [dreg:$0x2];
	s4 =	ssub.s32 $0x2, s4;
	s7 =	smul.u32 $0x24C, s6  }
0x7: {  	v3 =	vlaneseq.u32;
	[smem:$0x7FF] =	sst s2;
	s8 =	sshrl.u32 s4, $0x1;
	s6 =	smul.u32 $0x1880, s6  }
0x8: {  	v0 =	vmul.u32 $0x3, v3;
	_ =	strace $0x80000047;
	s8 =	ssub.s32 s4, s8;
	s7 =	sadd.s32 s7, s3  }
0x9: {  	s3 =	sadd.s32 $0xC00, s3;
	s5 =	sadd.s32 s5, s6;
	s6 =	smax.u32 s8, $0x1  }
0xa: {  	v3 =	vmul.u32 $0x20, v3;
	v1 =	vadd.s32 $0x1, v0;
	v2 =	vadd.s32 $0x2, v0;
	s8 =	simm.s32 $0x620;
	s4 =	sadd.s32 $0x7DC00, s7;
	s7 =	simm.s32 $0x2  }
.LBB2_1:
0xb: {  	v4 =	vmov s2  }
0xc: {  	v4 =	vmul.u32 $0x3, v4;
	_ =	sdelay $0x1  }
0xd: {  	v4 =	vbroadcast v4, $0x0;
	_ =	sdelay $0x1  }
0xe: {  	v5 =	vadd.s32 v0, v4  }
0xf: {  	[tilespmem:s2], [sflag:$0x2] =	stream.linear.gather [hbm4b:s4+s2], $0x1260, $0x38;
	[tilespmem:$0xE380] =	vst v63  }
0x10: {  	_ =	swait.ge [sflag:s7], $0x1260;
	v6 =	vadd.s32 v1, v4  }
0x11: {  	[sflag:s7] =	ssyncset.done $0x0  }
0x12: {  	[sflag:s7] =	ssyncadd.s32 $0xFFFFEDA0  }
0x13: {  	v4 =	vadd.s32 v2, v4;
	v5 =	vld.idx.msk [tilespmem:v5+s2+$0x0], $0xffff  }
0x14: {  	s13 =	simm.s32 $0x10  }
0x15: {  	v7 =	vmov s13;
	v6 =	vld.idx.msk [tilespmem:v6+s2+$0x0], $0xffff  }
0x16: {  	v7 =	vmul.u32 $0x3, v7;
	_ =	sdelay $0x1  }
0x17: {  	v7 =	vbroadcast v7, $0x0;
	v4 =	vld.idx.msk [tilespmem:v4+s2+$0x0], $0xffff;
	v5 =	vmul.u32 $0xA0, v5;
	_ =	sdelay $0x1  }
0x18: {  	v8 =	vadd.s32 v0, v7;
	v5 =	vadd.s32 v6, v5  }
0x19: {  	v5 =	vmul.u32 $0xA0, v5  }
0x1a: {  	v9 =	vadd.s32 v1, v7  }
0x1b: {  	v4 =	vadd.s32 v4, v5  }
0x1c: {  	v6 =	vadd.s32 v2, v7;
	[tilespmem:s9+$0x0] =	vst v4  }
0x1d: {  	v4 =	vld.idx.msk [tilespmem:v8+s2+$0x0], $0xffff  }
0x1e: {  	s31 =	simm.s32 $0x20  }
0x1f: {  	s14 =	simm.s32 $0x30;
	s13 =	simm.s32 $0x1280;
	v7 =	vmov s31;
	v5 =	vld.idx.msk [tilespmem:v9+s2+$0x0], $0xffff  }
.LBB2_2:
0x20: {  	p0 =	sne.s32 s14, $0x610;
	v7 =	vmul.u32 $0x3, v7  }
0x21: {  	v6 =	vld.idx.msk [tilespmem:v6+s2+$0x0], $0xffff  }
0x22: {  	v4 =	vmul.u32 $0xA0, v4;
	v7 =	vbroadcast v7, $0x0;
	_ =	sdelay $0x1  }
0x23: {  	v4 =	vadd.s32 v5, v4;
	v8 =	vadd.s32 v0, v7  }
0x24: {  	v4 =	vmul.u32 $0xA0, v4  }
0x25: {  	v5 =	vadd.s32 v1, v7  }
0x26: {  	s13 =	sadd.s32 $0x10, s13;
	v4 =	vadd.s32 v6, v4  }
.Ltmp0:
0x27: {  	[tilespmem:s13+$0x0] =	vst v4;
	(pc) =	sbr.rel @p0 .LBB2_2-.Ltmp0, $3  }
0x28: {  	v6 =	vadd.s32 v2, v7;
	v4 =	vld.idx.msk [tilespmem:v8+s2+$0x0], $0xffff;
	_ =	sdelay $0x1  }
0x29: {  	v5 =	vld.idx.msk [tilespmem:v5+s2+$0x0], $0xffff  }
0x2a: {  	v7 =	vmov s14;
	s14 =	sadd.s32 $0x10, s14  }
0x2b: {  	_ =	sdelay $0x1  }
0x2c: {  	v7 =	vmul.u32 $0x3, v7;
	_ =	sdelay $0x1  }
0x2d: {  	v6 =	vld.idx.msk [tilespmem:v6+s2+$0x0], $0xffff;
	v4 =	vmul.u32 $0xA0, v4;
	v7 =	vbroadcast v7, $0x0;
	_ =	sdelay $0x1  }
0x2e: {  	v4 =	vadd.s32 v5, v4;
	v8 =	vadd.s32 v0, v7  }
0x2f: {  	v4 =	vmul.u32 $0xA0, v4  }
0x30: {  	v5 =	vadd.s32 v1, v7  }
0x31: {  	s13 =	sadd.s32 $0x10, s13;
	v4 =	vadd.s32 v6, v4  }
0x32: {  	[tilespmem:s13+$0x0] =	vst v4  }
0x33: {  	v6 =	vadd.s32 v2, v7;
	v4 =	vld.idx.msk [tilespmem:v8+s2+$0x0], $0xffff;
	_ =	sdelay $0x1  }
0x34: {  	v5 =	vld.idx.msk [tilespmem:v5+s2+$0x0], $0xffff;
	_ =	sdelay $0x2  }
0x35: {  	v6 =	vld.idx.msk [tilespmem:v6+s2+$0x0], $0xffff;
	v4 =	vmul.u32 $0xA0, v4  }
0x36: {  	s14 =	simm.s32 $0x0  }
0x37: {  	v4 =	vadd.s32 v5, v4;
	v5 =	vmov s14  }
0x38: {  	v4 =	vmul.u32 $0xA0, v4;
	v5 =	vshll.u32 v5, $0x5  }
0x39: {  	v25 =	vor.u32 v3, v5  }
0x3a: {  	v4 =	vadd.s32 v6, v4;
	v26 =	vor.u32 $0x1, v25  }
0x3b: {  	v27 =	vor.u32 $0x2, v25;
	v28 =	vor.u32 $0x4, v25;
	v29 =	vor.u32 $0x6, v25  }
0x3c: {  	v23 =	vor.u32 $0x13, v25;
	v22 =	vor.u32 $0x14, v25;
	v30 =	vor.u32 $0x10, v25  }
0x3d: {  	v31 =	vor.u32 $0x11, v25;
	v32 =	vor.u32 $0x3, v25;
	v33 =	vor.u32 $0x8, v25  }
0x3e: {  	s13 =	sadd.s32 $0x10, s13;
	v34 =	vor.u32 $0xC, v25;
	v35 =	vor.u32 $0xD, v25;
	v36 =	vor.u32 $0x9, v25  }
0x3f: {  	s30 =	simm.s32 $0x1900;
	s31 =	simm.s32 $0x10;
	v37 =	vor.u32 $0xA, v25;
	v38 =	vor.u32 $0x7, v25;
	v19 =	vor.u32 $0x19, v25;
	[tilespmem:s13+$0x0] =	vst v4  }
0x40: {  	v20 =	vor.u32 $0x1A, v25;
	v24 =	vor.u32 $0x17, v25;
	v21 =	vor.u32 $0x18, v25;
	[tilespmem:s30], [sflag:$0x1] =	stream.indirect.gather [hbm4b:s3+s8], $0x1, s9, s8, $0xb8;
	[tilespmem:$0xE380] =	vst v63  }
0x41: {  	v39 =	vor.u32 $0x15, v25;
	v40 =	vor.u32 $0x16, v25;
	v4 =	vmov s31;
	_ =	swait.ge [sflag:s10], $0x620  }
0x42: {  	v42 =	vor.u32 $0x12, v25;
	v43 =	vor.u32 $0xF, v25;
	v4 =	vshll.u32 v4, $0x5;
	[sflag:s10] =	ssyncset.done $0x0  }
0x43: {  	v44 =	vor.u32 $0xE, v25;
	v45 =	vor.u32 $0xB, v25;
	v16 =	vor.u32 v3, v4;
	[sflag:s10] =	ssyncadd.s32 $0xFFFFF9E0  }
0x44: {  	v46 =	vor.u32 $0x5, v25;
	v17 =	vor.u32 $0x1, v16;
	v15 =	vor.u32 $0x2, v16;
	v41 =	vld [tilespmem:s30+$0x0]  }
0x45: {  	v14 =	vor.u32 $0x4, v16;
	v11 =	vor.u32 $0x6, v16;
	v5 =	vor.u32 $0x13, v16  }
0x46: {  	v4 =	vor.u32 $0x14, v16;
	v7 =	vor.u32 $0x10, v16;
	v6 =	vor.u32 $0x11, v16  }
0x47: {  	v18 =	vor.u32 $0x3, v16;
	v12 =	vor.u32 $0x8, v16;
	v9 =	vor.u32 $0xC, v16  }
0x48: {  	v8 =	vor.u32 $0xD, v16;
	v13 =	vor.u32 $0x9, v16;
	v10 =	vor.u32 $0xA, v16  }
0x49: {  	v47 =	vshrl.u32 v41, $0x3;
	v48 =	vand.u32 $0x1, v41;
	v49 =	vshrl.u32 v41, $0x1  }
0x4a: {  	v50 =	vshrl.u32 v41, $0x2;
	v48 =	vcvt.s32.f32 v48;
	v49 =	vand.u32 $0x1, v49  }
0x4b: {  	v59 =	vshrl.u32 v41, $0x4;
	v50 =	vand.u32 $0x1, v50;
	v49 =	vcvt.s32.f32 v49  }
0x4c: {  	v60 =	vshrl.u32 v41, $0x5;
	v47 =	vand.u32 $0x1, v47;
	v50 =	vcvt.s32.f32 v50;
	[tilespmem:v25+s11+$0x0] =	vst.idx.msk $0xffff, v48  }
0x4d: {  	v61 =	vshrl.u32 v41, $0x6;
	v25 =	vcvt.s32.f32 v47;
	[tilespmem:v26+s11+$0x0] =	vst.idx.msk $0xffff, v49;
	v26 =	vand.u32 $0x1, v59  }
0x4e: {  	v62 =	vshrl.u32 v41, $0x7;
	v48 =	vand.u32 $0x1, v60;
	[tilespmem:v27+s11+$0x0] =	vst.idx.msk $0xffff, v50;
	v26 =	vcvt.s32.f32 v26  }
0x4f: {  	v63 =	vshrl.u32 v41, $0x8;
	v27 =	vand.u32 $0x1, v61;
	[tilespmem:v32+s11+$0x0] =	vst.idx.msk $0xffff, v25;
	v25 =	vcvt.s32.f32 v48  }
0x50: {  	v51 =	vshrl.u32 v41, $0xC;
	v47 =	vand.u32 $0x1, v62;
	[tilespmem:v28+s11+$0x0] =	vst.idx.msk $0xffff, v26;
	v26 =	vcvt.s32.f32 v27  }
0x51: {  	v48 =	vshrl.u32 v41, $0x9;
	v27 =	vand.u32 $0x1, v63;
	[tilespmem:v46+s11+$0x0] =	vst.idx.msk $0xffff, v25;
	v25 =	vcvt.s32.f32 v47  }
0x52: {  	v49 =	vshrl.u32 v41, $0xA;
	v28 =	vand.u32 $0x1, v48;
	[tilespmem:v29+s11+$0x0] =	vst.idx.msk $0xffff, v26;
	v26 =	vcvt.s32.f32 v27  }
0x53: {  	v50 =	vshrl.u32 v41, $0xB;
	v27 =	vand.u32 $0x1, v49;
	[tilespmem:v38+s11+$0x0] =	vst.idx.msk $0xffff, v25;
	v25 =	vcvt.s32.f32 v28  }
0x54: {  	v52 =	vshrl.u32 v41, $0xD;
	v29 =	vand.u32 $0x1, v50;
	[tilespmem:v33+s11+$0x0] =	vst.idx.msk $0xffff, v26;
	v26 =	vcvt.s32.f32 v27  }
0x55: {  	v53 =	vshrl.u32 v41, $0xE;
	v27 =	vand.u32 $0x1, v51;
	[tilespmem:v36+s11+$0x0] =	vst.idx.msk $0xffff, v25;
	v25 =	vcvt.s32.f32 v29  }
0x56: {  	v54 =	vshrl.u32 v41, $0xF;
	v28 =	vand.u32 $0x1, v52;
	[tilespmem:v37+s11+$0x0] =	vst.idx.msk $0xffff, v26;
	v26 =	vcvt.s32.f32 v27  }
0x57: {  	v55 =	vshrl.u32 v41, $0x10;
	v27 =	vand.u32 $0x1, v53;
	[tilespmem:v45+s11+$0x0] =	vst.idx.msk $0xffff, v25;
	v25 =	vcvt.s32.f32 v28  }
0x58: {  	v56 =	vshrl.u32 v41, $0x11;
	v29 =	vand.u32 $0x1, v54;
	[tilespmem:v34+s11+$0x0] =	vst.idx.msk $0xffff, v26;
	v26 =	vcvt.s32.f32 v27  }
0x59: {  	v57 =	vshrl.u32 v41, $0x12;
	v27 =	vand.u32 $0x1, v55;
	[tilespmem:v35+s11+$0x0] =	vst.idx.msk $0xffff, v25;
	v25 =	vcvt.s32.f32 v29  }
0x5a: {  	v58 =	vshrl.u32 v41, $0x13;
	v28 =	vand.u32 $0x1, v56;
	[tilespmem:v44+s11+$0x0] =	vst.idx.msk $0xffff, v26;
	v26 =	vcvt.s32.f32 v27  }
0x5b: {  	v60 =	vshrl.u32 v41, $0x15;
	v27 =	vand.u32 $0x1, v57;
	[tilespmem:v43+s11+$0x0] =	vst.idx.msk $0xffff, v25;
	v25 =	vcvt.s32.f32 v28  }
0x5c: {  	v59 =	vshrl.u32 v41, $0x14;
	v29 =	vand.u32 $0x1, v58;
	[tilespmem:v30+s11+$0x0] =	vst.idx.msk $0xffff, v26;
	v26 =	vcvt.s32.f32 v27  }
0x5d: {  	v62 =	vshrl.u32 v41, $0x17;
	v27 =	vand.u32 $0x1, v59;
	[tilespmem:v31+s11+$0x0] =	vst.idx.msk $0xffff, v25;
	v25 =	vcvt.s32.f32 v29  }
0x5e: {  	v61 =	vshrl.u32 v41, $0x16;
	v28 =	vand.u32 $0x1, v60;
	[tilespmem:v42+s11+$0x0] =	vst.idx.msk $0xffff, v26;
	v26 =	vcvt.s32.f32 v27  }
0x5f: {  	v27 =	vand.u32 $0x1, v61;
	[tilespmem:v23+s11+$0x0] =	vst.idx.msk $0xffff, v25;
	v23 =	vcvt.s32.f32 v28;
	v25 =	vshrl.u32 v41, $0x18  }
0x60: {  	v63 =	vand.u32 $0x1, v62;
	[tilespmem:v22+s11+$0x0] =	vst.idx.msk $0xffff, v26;
	v22 =	vcvt.s32.f32 v27;
	v25 =	vand.u32 $0x1, v25  }
0x61: {  	v26 =	vshrl.u32 v41, $0x19;
	v27 =	vshrl.u32 v41, $0x1A;
	[tilespmem:v39+s11+$0x0] =	vst.idx.msk $0xffff, v23;
	v23 =	vcvt.s32.f32 v63  }
0x62: {  	v26 =	vand.u32 $0x1, v26;
	v25 =	vcvt.s32.f32 v25;
	v27 =	vand.u32 $0x1, v27;
	[tilespmem:v40+s11+$0x0] =	vst.idx.msk $0xffff, v22  }
0x63: {  	s15 =	simm.s32 $0x1920;
	s14 =	simm.s32 $0x20;
	s13 =	simm.s32 $0x1910;
	v22 =	vor.u32 $0x7, v16;
	[tilespmem:v24+s11+$0x0] =	vst.idx.msk $0xffff, v23;
	v24 =	vcvt.s32.f32 v26;
	v26 =	vcvt.s32.f32 v27  }
.LBB2_4:
0x64: {  	v23 =	vmov s14;
	p0 =	sne.s32 s14, $0x610;
	s14 =	sadd.s32 $0x10, s14;
	v27 =	vor.u32 $0x19, v16;
	v28 =	vor.u32 $0x1A, v16;
	[tilespmem:v21+s11+$0x0] =	vst.idx.msk $0xffff, v25  }
0x65: {  	v21 =	vor.u32 $0x18, v16;
	v25 =	vshll.u32 v23, $0x5;
	v23 =	vor.u32 $0x17, v16;
	[tilespmem:v19+s11+$0x0] =	vst.idx.msk $0xffff, v24;
	v19 =	vmovc v27  }
0x66: {  	v24 =	vor.u32 $0x16, v16;
	v31 =	vor.u32 v3, v25;
	v25 =	vor.u32 $0x15, v16;
	[tilespmem:v20+s11+$0x0] =	vst.idx.msk $0xffff, v26;
	v20 =	vmovc v28  }
0x67: {  	v29 =	vor.u32 $0x12, v16;
	v32 =	vor.u32 $0x1, v31;
	v33 =	vor.u32 $0x2, v31;
	v26 =	vld [tilespmem:s13+$0x0];
	s13 =	smov.u32 s15  }
0x68: {  	v36 =	vor.u32 $0xF, v16;
	v34 =	vor.u32 $0x4, v31;
	v35 =	vor.u32 $0x6, v31  }
0x69: {  	v37 =	vor.u32 $0xE, v16;
	v28 =	vor.u32 $0x13, v31;
	v27 =	vor.u32 $0x14, v31  }
0x6a: {  	v39 =	vor.u32 $0xB, v16;
	v38 =	vor.u32 $0x10, v31;
	v30 =	vor.u32 $0x11, v31  }
0x6b: {  	v42 =	vor.u32 $0x5, v16;
	v40 =	vor.u32 $0x3, v31;
	v41 =	vor.u32 $0x8, v31  }
0x6c: {  	v43 =	vor.u32 $0xC, v31;
	v44 =	vor.u32 $0xD, v31;
	v45 =	vshrl.u32 v26, $0x3  }
0x6d: {  	v46 =	vor.u32 $0x9, v31;
	v47 =	vor.u32 $0xA, v31;
	v48 =	vshrl.u32 v26, $0x2  }
0x6e: {  	v49 =	vor.u32 $0x7, v31;
	v50 =	vand.u32 $0x1, v26;
	v51 =	vshrl.u32 v26, $0x1  }
0x6f: {  	v50 =	vcvt.s32.f32 v50;
	v51 =	vand.u32 $0x1, v51;
	v48 =	vand.u32 $0x1, v48  }
0x70: {  	v45 =	vand.u32 $0x1, v45;
	v51 =	vcvt.s32.f32 v51;
	v48 =	vcvt.s32.f32 v48  }
0x71: {  	v52 =	vshrl.u32 v26, $0x5;
	v45 =	vcvt.s32.f32 v45;
	[tilespmem:v16+s11+$0x0] =	vst.idx.msk $0xffff, v50;
	v50 =	vshrl.u32 v26, $0x4;
	v16 =	vmovc v31  }
0x72: {  	[tilespmem:v17+s11+$0x0] =	vst.idx.msk $0xffff, v51;
	v31 =	vand.u32 $0x1, v50;
	v50 =	vand.u32 $0x1, v52;
	v51 =	vshrl.u32 v26, $0x6;
	v17 =	vmovc v32  }
0x73: {  	[tilespmem:v15+s11+$0x0] =	vst.idx.msk $0xffff, v48;
	v31 =	vcvt.s32.f32 v31;
	v32 =	vand.u32 $0x1, v51;
	v48 =	vshrl.u32 v26, $0x7;
	v15 =	vmovc v33  }
0x74: {  	v33 =	vcvt.s32.f32 v50;
	[tilespmem:v18+s11+$0x0] =	vst.idx.msk $0xffff, v45;
	v45 =	vand.u32 $0x1, v48;
	v48 =	vshrl.u32 v26, $0x8;
	v18 =	vmovc v40  }
0x75: {  	v40 =	vshrl.u32 v26, $0x9;
	[tilespmem:v14+s11+$0x0] =	vst.idx.msk $0xffff, v31;
	v31 =	vcvt.s32.f32 v32;
	v32 =	vand.u32 $0x1, v48;
	v14 =	vmovc v34  }
0x76: {  	v34 =	vand.u32 $0x1, v40;
	v40 =	vshrl.u32 v26, $0xA;
	[tilespmem:v42+s11+$0x0] =	vst.idx.msk $0xffff, v33;
	v33 =	vcvt.s32.f32 v45  }
0x77: {  	[tilespmem:v11+s11+$0x0] =	vst.idx.msk $0xffff, v31;
	v31 =	vcvt.s32.f32 v32;
	v32 =	vand.u32 $0x1, v40;
	v40 =	vshrl.u32 v26, $0xB;
	v11 =	vmovc v35  }
0x78: {  	v35 =	vshrl.u32 v26, $0xC;
	[tilespmem:v22+s11+$0x0] =	vst.idx.msk $0xffff, v33;
	v33 =	vcvt.s32.f32 v34;
	v34 =	vand.u32 $0x1, v40;
	v22 =	vmovc v49  }
0x79: {  	[tilespmem:v12+s11+$0x0] =	vst.idx.msk $0xffff, v31;
	v31 =	vcvt.s32.f32 v32;
	v32 =	vand.u32 $0x1, v35;
	v35 =	vshrl.u32 v26, $0xD;
	v12 =	vmovc v41  }
0x7a: {  	[tilespmem:v13+s11+$0x0] =	vst.idx.msk $0xffff, v33;
	v33 =	vcvt.s32.f32 v34;
	v34 =	vand.u32 $0x1, v35;
	v35 =	vshrl.u32 v26, $0xE;
	v13 =	vmovc v46  }
0x7b: {  	[tilespmem:v10+s11+$0x0] =	vst.idx.msk $0xffff, v31;
	v31 =	vcvt.s32.f32 v32;
	v32 =	vand.u32 $0x1, v35;
	v35 =	vshrl.u32 v26, $0xF;
	v10 =	vmovc v47  }
0x7c: {  	[tilespmem:v39+s11+$0x0] =	vst.idx.msk $0xffff, v33;
	v33 =	vcvt.s32.f32 v34;
	v34 =	vand.u32 $0x1, v35;
	v35 =	vshrl.u32 v26, $0x10  }
0x7d: {  	[tilespmem:v9+s11+$0x0] =	vst.idx.msk $0xffff, v31;
	v31 =	vcvt.s32.f32 v32;
	v32 =	vand.u32 $0x1, v35;
	v35 =	vshrl.u32 v26, $0x11;
	v9 =	vmovc v43  }
0x7e: {  	[tilespmem:v8+s11+$0x0] =	vst.idx.msk $0xffff, v33;
	v33 =	vcvt.s32.f32 v34;
	v34 =	vand.u32 $0x1, v35;
	v35 =	vshrl.u32 v26, $0x12;
	v8 =	vmovc v44  }
0x7f: {  	[tilespmem:v37+s11+$0x0] =	vst.idx.msk $0xffff, v31;
	v31 =	vcvt.s32.f32 v32;
	v32 =	vand.u32 $0x1, v35;
	v35 =	vshrl.u32 v26, $0x13  }
0x80: {  	[tilespmem:v36+s11+$0x0] =	vst.idx.msk $0xffff, v33;
	v33 =	vcvt.s32.f32 v34;
	v34 =	vand.u32 $0x1, v35;
	v35 =	vshrl.u32 v26, $0x14  }
0x81: {  	[tilespmem:v7+s11+$0x0] =	vst.idx.msk $0xffff, v31;
	v31 =	vcvt.s32.f32 v32;
	v32 =	vand.u32 $0x1, v35;
	v35 =	vshrl.u32 v26, $0x15;
	v7 =	vmovc v38  }
0x82: {  	[tilespmem:v6+s11+$0x0] =	vst.idx.msk $0xffff, v33;
	v33 =	vcvt.s32.f32 v34;
	v34 =	vand.u32 $0x1, v35;
	v35 =	vshrl.u32 v26, $0x16;
	v6 =	vmovc v30  }
0x83: {  	[tilespmem:v29+s11+$0x0] =	vst.idx.msk $0xffff, v31;
	v29 =	vcvt.s32.f32 v32;
	v30 =	vand.u32 $0x1, v35;
	v31 =	vshrl.u32 v26, $0x17  }
.Ltmp1:
0x84: {  	v32 =	vcvt.s32.f32 v34;
	[tilespmem:v5+s11+$0x0] =	vst.idx.msk $0xffff, v33;
	v31 =	vand.u32 $0x1, v31;
	v33 =	vshrl.u32 v26, $0x18;
	v5 =	vmovc v28;
	(pc) =	sbr.rel @p0 .LBB2_4-.Ltmp1, $4  }
0x85: {  	v28 =	vcvt.s32.f32 v30;
	v30 =	vshrl.u32 v26, $0x19;
	[tilespmem:v4+s11+$0x0] =	vst.idx.msk $0xffff, v29;
	v29 =	vand.u32 $0x1, v33;
	v4 =	vmovc v27  }
0x86: {  	v26 =	vshrl.u32 v26, $0x1A;
	v27 =	vcvt.s32.f32 v31;
	v30 =	vand.u32 $0x1, v30;
	[tilespmem:v25+s11+$0x0] =	vst.idx.msk $0xffff, v32  }
0x87: {  	v26 =	vand.u32 $0x1, v26;
	v25 =	vcvt.s32.f32 v29;
	[tilespmem:v24+s11+$0x0] =	vst.idx.msk $0xffff, v28  }
0x88: {  	s15 =	sadd.s32 $0x10, s15;
	v26 =	vcvt.s32.f32 v26;
	v24 =	vcvt.s32.f32 v30;
	[tilespmem:v23+s11+$0x0] =	vst.idx.msk $0xffff, v27  }
0x89: {  	_ =	sdelay $0x3  }
0x8a: {  	[tilespmem:v21+s11+$0x0] =	vst.idx.msk $0xffff, v25  }
0x8b: {  	[tilespmem:v19+s11+$0x0] =	vst.idx.msk $0xffff, v24  }
0x8c: {  	[tilespmem:v20+s11+$0x0] =	vst.idx.msk $0xffff, v26  }
0x8d: {  	v19 =	vld [tilespmem:s13+$0x0]  }
0x8e: {  	v21 =	vor.u32 $0x1A, v16  }
0x8f: {  	v23 =	vor.u32 $0x17, v16;
	v25 =	vor.u32 $0x15, v16;
	v27 =	vor.u32 $0x12, v16  }
0x90: {  	v28 =	vor.u32 $0xF, v16;
	v29 =	vor.u32 $0xE, v16;
	v30 =	vor.u32 $0xB, v16  }
0x91: {  	v31 =	vor.u32 $0x5, v16;
	v24 =	vor.u32 $0x18, v16;
	v20 =	vor.u32 $0x19, v16  }
0x92: {  	v26 =	vor.u32 $0x16, v16;
	v32 =	vand.u32 $0x1, v19;
	v33 =	vshrl.u32 v19, $0x1  }
0x93: {  	v34 =	vshrl.u32 v19, $0x2;
	v32 =	vcvt.s32.f32 v32;
	v33 =	vand.u32 $0x1, v33  }
0x94: {  	v35 =	vshrl.u32 v19, $0x3;
	v34 =	vand.u32 $0x1, v34;
	v33 =	vcvt.s32.f32 v33  }
0x95: {  	v43 =	vshrl.u32 v19, $0x4;
	v35 =	vand.u32 $0x1, v35;
	v34 =	vcvt.s32.f32 v34;
	[tilespmem:v16+s11+$0x0] =	vst.idx.msk $0xffff, v32  }
0x96: {  	v45 =	vshrl.u32 v19, $0x5;
	v44 =	vcvt.s32.f32 v35;
	v16 =	vand.u32 $0x1, v43;
	[tilespmem:v17+s11+$0x0] =	vst.idx.msk $0xffff, v33  }
0x97: {  	v47 =	vshrl.u32 v19, $0x6;
	v46 =	vand.u32 $0x1, v45;
	v48 =	vcvt.s32.f32 v16;
	[tilespmem:v15+s11+$0x0] =	vst.idx.msk $0xffff, v34  }
0x98: {  	v50 =	vshrl.u32 v19, $0x7;
	v49 =	vand.u32 $0x1, v47;
	v17 =	vcvt.s32.f32 v46;
	[tilespmem:v18+s11+$0x0] =	vst.idx.msk $0xffff, v44  }
0x99: {  	v52 =	vshrl.u32 v19, $0x8;
	v51 =	vand.u32 $0x1, v50;
	v53 =	vcvt.s32.f32 v49;
	[tilespmem:v14+s11+$0x0] =	vst.idx.msk $0xffff, v48  }
0x9a: {  	v55 =	vshrl.u32 v19, $0x9;
	v54 =	vand.u32 $0x1, v52;
	v56 =	vcvt.s32.f32 v51;
	[tilespmem:v31+s11+$0x0] =	vst.idx.msk $0xffff, v17  }
0x9b: {  	v57 =	vshrl.u32 v19, $0xA;
	v58 =	vcvt.s32.f32 v54;
	v16 =	vand.u32 $0x1, v55;
	[tilespmem:v11+s11+$0x0] =	vst.idx.msk $0xffff, v53  }
0x9c: {  	v60 =	vshrl.u32 v19, $0xB;
	v59 =	vand.u32 $0x1, v57;
	v16 =	vcvt.s32.f32 v16;
	[tilespmem:v22+s11+$0x0] =	vst.idx.msk $0xffff, v56  }
0x9d: {  	v61 =	vshrl.u32 v19, $0xC;
	v62 =	vcvt.s32.f32 v59;
	v15 =	vand.u32 $0x1, v60;
	[tilespmem:v12+s11+$0x0] =	vst.idx.msk $0xffff, v58  }
0x9e: {  	v63 =	vand.u32 $0x1, v61;
	v18 =	vcvt.s32.f32 v15;
	v17 =	vshrl.u32 v19, $0xD;
	[tilespmem:v13+s11+$0x0] =	vst.idx.msk $0xffff, v16  }
0x9f: {  	v31 =	vcvt.s32.f32 v63;
	v14 =	vand.u32 $0x1, v17;
	v22 =	vshrl.u32 v19, $0xE;
	[tilespmem:v10+s11+$0x0] =	vst.idx.msk $0xffff, v62  }
0xa0: {  	v33 =	vshrl.u32 v19, $0xF;
	v34 =	vcvt.s32.f32 v14;
	v32 =	vand.u32 $0x1, v22;
	[tilespmem:v30+s11+$0x0] =	vst.idx.msk $0xffff, v18  }
0xa1: {  	v35 =	vshrl.u32 v19, $0x10;
	v12 =	vand.u32 $0x1, v33;
	v36 =	vcvt.s32.f32 v32;
	[tilespmem:v9+s11+$0x0] =	vst.idx.msk $0xffff, v31  }
0xa2: {  	v38 =	vshrl.u32 v19, $0x11;
	v37 =	vand.u32 $0x1, v35;
	v39 =	vcvt.s32.f32 v12;
	[tilespmem:v8+s11+$0x0] =	vst.idx.msk $0xffff, v34  }
0xa3: {  	v40 =	vshrl.u32 v19, $0x12;
	v41 =	vcvt.s32.f32 v37;
	v11 =	vand.u32 $0x1, v38;
	[tilespmem:v29+s11+$0x0] =	vst.idx.msk $0xffff, v36  }
0xa4: {  	v42 =	vand.u32 $0x1, v40;
	v43 =	vshrl.u32 v19, $0x13;
	v44 =	vcvt.s32.f32 v11;
	[tilespmem:v28+s11+$0x0] =	vst.idx.msk $0xffff, v39  }
0xa5: {  	v47 =	vcvt.s32.f32 v42;
	v45 =	vand.u32 $0x1, v43;
	v46 =	vshrl.u32 v19, $0x14;
	[tilespmem:v7+s11+$0x0] =	vst.idx.msk $0xffff, v41  }
0xa6: {  	v49 =	vshrl.u32 v19, $0x15;
	v50 =	vcvt.s32.f32 v45;
	v48 =	vand.u32 $0x1, v46;
	[tilespmem:v6+s11+$0x0] =	vst.idx.msk $0xffff, v44  }
0xa7: {  	v52 =	vshrl.u32 v19, $0x16;
	v51 =	vand.u32 $0x1, v49;
	v53 =	vcvt.s32.f32 v48;
	[tilespmem:v27+s11+$0x0] =	vst.idx.msk $0xffff, v47  }
0xa8: {  	v54 =	vand.u32 $0x1, v52;
	v55 =	vshrl.u32 v19, $0x17;
	[tilespmem:v5+s11+$0x0] =	vst.idx.msk $0xffff, v50;
	v5 =	vcvt.s32.f32 v51  }
0xa9: {  	v57 =	vshrl.u32 v19, $0x18;
	v56 =	vand.u32 $0x1, v55;
	[tilespmem:v4+s11+$0x0] =	vst.idx.msk $0xffff, v53;
	v4 =	vcvt.s32.f32 v54  }
0xaa: {  	v59 =	vshrl.u32 v19, $0x19;
	v58 =	vand.u32 $0x1, v57;
	[tilespmem:v25+s11+$0x0] =	vst.idx.msk $0xffff, v5;
	v5 =	vcvt.s32.f32 v56  }
0xab: {  	v61 =	vshrl.u32 v19, $0x1A;
	v60 =	vand.u32 $0x1, v59;
	[tilespmem:v26+s11+$0x0] =	vst.idx.msk $0xffff, v4;
	v4 =	vcvt.s32.f32 v58  }
0xac: {  	v62 =	vand.u32 $0x1, v61;
	[tilespmem:v23+s11+$0x0] =	vst.idx.msk $0xffff, v5;
	v5 =	vcvt.s32.f32 v60  }
0xad: {  	s12 =	sadd.s32 $0x1, s12;
	v63 =	vcvt.s32.f32 v62;
	[tilespmem:v24+s11+$0x0] =	vst.idx.msk $0xffff, v4  }
0xae: {  	p0 =	sne.s32 s12, s6;
	[tilespmem:v20+s11+$0x0] =	vst.idx.msk $0xffff, v5  }
.Ltmp2:
0xaf: {  	[tilespmem:v21+s11+$0x0] =	vst.idx.msk $0xffff, v63;
	(pc) =	sbr.rel @p0 .LBB2_1-.Ltmp2, $4  }
0xb0: {  	[hbm4b:s5+s2] =	stream.linear.scatter [tilespmem:s11], [sflag:$0x2], $0xC400, $0x38;
	[tilespmem:$0xE380] =	vst v63  }
0xb1: {  	_ =	swait.ge [sflag:s7], $0xC400  }
0xb2: {  	[sflag:s7] =	ssyncset.done $0x0  }
0xb3: {  	[sflag:s7] =	ssyncadd.s32 $0xFFFF3C00  }
0xb4: {  	_ =	sfence.sel $0x180000  }
0xb5: {  	[bflag:$0x0] =	sbarrier.arrive $0xFFFF  }
0xb6: {  	p0 =	sne.s32 s0, $0x0;
	_ =	strace $0x90000047  }
0xb7: {  	s0 =	sadd.s32 @!p0 $0x100000, s1;
	[bflag:$0x2] =	sbarrier.arrive $0xFFFF  }
0xb8: {  	[sflag:s0] =	ssyncadd.tile.s32 @!p0 $0x1;
	_ =	shalt  }
.Lfunc_end2:
_tile_overlayer_lowered:
.L_overlay_start_2:
0xb9: {  	(tag) =	ssettag $0x2  }
0xba: {  	s0 =	rddreg [dreg:$0x0];
	s2 =	stileid.u32  }
0xbb: {  	s1 =	rddreg [dreg:$0x1];
	p0 =	sne.s32 s2, $0x0  }
0xbc: {  	s3 =	rddreg [dreg:$0x2];
	[bflag:$0x3] =	sbarrier.arrive $0xFFFF;
	s2 =	simm.s32 @!p0 $0x1C02  }
0xbd: {  	[timem:s3], [sflag:s2] =	dma.local @!p0 [hbm:s0], s1  }
0xbe: {  	s0 =	simm.s32 @!p0 $0x2  }
0xbf: {  	_ =	swait.ge @!p0 [sflag:s0], s1  }
0xc0: {  	s1 =	ssub.s32 @!p0 $0x0, s1;
	[sflag:s0] =	ssyncset.done @!p0 $0x0  }
0xc1: {  	[sflag:s0] =	ssyncadd.s32 @!p0 s1  }
0xc2: {  	[bflag:$0x3] =	sbarrier.arrive $0xFFFF  }
0xc3: {  	_ =	shalt  }

</sc_bundles>
